<compile_context>
chip_gen: v7x
topology: tpu7x:2x2x1
jax: 0.10.2.dev20260603
libtpu: 0.0.44.dev20260713+nightly
codegen_flags: <defaults>
</compile_context>

<pallas_src>
import jax
import jax.numpy as jnp
from jax import lax
from jax.experimental import pallas as pl
from jax.experimental.pallas import tpu as pltpu
from jax.experimental.pallas import tpu_sc as plsc

B = 64
N = 10000
NP = 10112
F = 64
T = 288

NC, NS, L = 2, 16, 16
NW = NC * NS
BPW = B // NW
FPD = 4
DPB = F // FPD
TPW = BPW * DPB
GPB = N // L


def _body(xs_hbm, tab_hbm, out_hbm, tab_v, xs_v, tt_v, ob, sems):
    wid = lax.axis_index("s") * NC + lax.axis_index("c")
    b0 = wid * BPW
    pltpu.sync_copy(tab_hbm, tab_v)

    def pair(kk, carry):
        for j in range(2):
            t = kk * 2 + j
            bl = t // DPB
            fb = t % DPB
            start = ((b0 + bl) * F + fb * FPD) * NP
            dst = out_hbm.at[pl.ds(start, FPD * NP)]

            @pl.when(fb == 0)
            def _stage_batch():
                pltpu.sync_copy(xs_hbm.at[b0 + bl], xs_v)

                @plsc.parallel_loop(0, GPB // 2, unroll=5)
                def pre(g):
                    xa = xs_v[pl.ds(2 * g * L, L)]
                    xb = xs_v[pl.ds((2 * g + 1) * L, L)]
                    ta = jnp.clip((xa * 288.0).astype(jnp.int32), 0, T - 1)
                    tb = jnp.clip((xb * 288.0).astype(jnp.int32), 0, T - 1)
                    tt_v[pl.ds(g * L, L)] = ta | (tb << 16)

                xl = xs_v[pl.ds((GPB - 1) * L, L)]
                tt_v[pl.ds((GPB // 2) * L, L)] = jnp.clip(
                    (xl * 288.0).astype(jnp.int32), 0, T - 1)

            @pl.when(kk > 0)
            def _wait_prev():
                pltpu.make_async_copy(ob[j], dst, sems[j]).wait()

            f0 = fb * FPD

            @plsc.parallel_loop(0, GPB // 2, unroll=8)
            def per_group(g):
                packed = tt_v[pl.ds(g * L, L)]
                ta = packed & 0xFFFF
                tb = packed >> 16
                for fl in range(FPD):
                    va = plsc.load_gather(tab_v, [ta + (f0 + fl) * T])
                    ob[j][pl.ds(fl * NP + 2 * g * L, L)] = va
                    vb = plsc.load_gather(tab_v, [tb + (f0 + fl) * T])
                    ob[j][pl.ds(fl * NP + (2 * g + 1) * L, L)] = vb

            tl = tt_v[pl.ds((GPB // 2) * L, L)]
            for fl in range(FPD):
                vl = plsc.load_gather(tab_v, [tl + (f0 + fl) * T])
                ob[j][pl.ds(fl * NP + (GPB - 1) * L, L)] = vl

            pltpu.async_copy(ob[j], dst, sems[j])
        return carry

    lax.fori_loop(0, TPW // 2, pair, 0)
    for j in range(2):
        dst = out_hbm.at[pl.ds(b0 * F * NP, FPD * NP)]
        pltpu.make_async_copy(ob[j], dst, sems[j]).wait()


_sc = pl.kernel(
    _body,
    out_type=jax.ShapeDtypeStruct((B * F * NP,), jnp.float32),
    mesh=plsc.VectorSubcoreMesh(
        core_axis_name="c", subcore_axis_name="s",
        num_cores=NC, num_subcores=NS,
    ),
    scratch_types=[
        pltpu.VMEM((F * T,), jnp.float32),
        pltpu.VMEM((N,), jnp.float32),
        pltpu.VMEM((N,), jnp.int32),
        [pltpu.VMEM((FPD * NP,), jnp.float32)] * 2,
        [pltpu.SemaphoreType.DMA] * 2,
    ],
    compiler_params=pltpu.CompilerParams(
        use_tc_tiling_on_sc=False, needs_layout_passes=False,
        disable_bounds_checks=True,
    ),
)


def kernel(x, time_day):
    xs = x[:, -1, :, 1]
    tab_t = time_day.T.reshape(F * T)
    return _sc(xs, tab_t).reshape(B, F, NP, 1)[:, :, :N, :]

# --- scband reference (transcript-rebuilt; emitter-appended) ---
"""Pipeline reference for scband-temporal-embedding-77713138253965 (READ-ONLY COPY).

The authoritative reference and input builder live on the scoring server;
editing this copy changes nothing except your own understanding.
"""

import jax, jax.numpy as jnp
import numpy as np

TIME = 288
FEATURES = 64


def setup_inputs(seed: int = 0) -> dict:
    key = jax.random.key(seed)
    k1, k2 = jax.random.split(key)
    # x channel 1 holds normalized time-of-day in [0, 1)
    x = jax.random.uniform(k1, (64, 12, 10000, 2), dtype=jnp.float32)
    # xavier_uniform init for the [time, features] table
    bound = float(np.sqrt(6.0 / (TIME + FEATURES)))
    time_day = jax.random.uniform(k2, (TIME, FEATURES), dtype=jnp.float32, minval=-bound, maxval=bound)
    return {"x": x, "time_day": time_day}


def reference(x, time_day):
    # day_emb = x[..., 1]  -> [B, T, N]
    day_emb = x[..., 1]
    # indices from the last time step: [B, N]
    idx = (day_emb[:, -1, :] * TIME).astype(jnp.int32)
    # gather: [B, N, F]
    emb = jnp.take(time_day, idx, axis=0)
    # transpose(1,2) -> [B, F, N]; unsqueeze(-1) -> [B, F, N, 1]
    tem_emb = jnp.transpose(emb, (0, 2, 1))[..., None]
    return tem_emb

if __name__ == "__main__":
    import jax
    _d = setup_inputs()
    print(jax.jit(kernel)(*tuple(_d.values())))

</pallas_src>

<mosaic_0001>
#map = affine_map<(d0, d1) -> (0, 0)>
#map1 = affine_map<(d0, d1) -> (0)>
module attributes {stable_mosaic.version = 14 : i64} {
  func.func @_body(%arg0: i32, %arg1: i32, %arg2: memref<64x10000xf32, #tpu.memory_space<hbm>>, %arg3: memref<18432xf32, #tpu.memory_space<hbm>>, %arg4: memref<41418752xf32, #tpu.memory_space<hbm>>, %arg5: memref<18432xf32, #tpu.memory_space<vmem>>, %arg6: memref<10000xf32, #tpu.memory_space<vmem>>, %arg7: memref<10000xi32, #tpu.memory_space<vmem>>, %arg8: memref<40448xf32, #tpu.memory_space<vmem>>, %arg9: memref<40448xf32, #tpu.memory_space<vmem>>, %arg10: memref<!tpu.dma_semaphore, #tpu.memory_space<semaphore_mem>>, %arg11: memref<!tpu.dma_semaphore, #tpu.memory_space<semaphore_mem>>) attributes {dimension_semantics = [#tpu.dimension_semantics<core_parallel>, #tpu.dimension_semantics<subcore_parallel>], iteration_bounds = array<i64: 2, 16>, scalar_prefetch = 0 : i64, scratch_operands = 7 : i64, tpu.core_type = #tpu.core_type<sc_vector_subcore>, window_params = [{transform_indices = #map}, {transform_indices = #map1}, {transform_indices = #map1}]} {
    %mul3A = arith.constant 2 : i32
    %mul3A_0 = arith.muli %arg1, %mul3A : i32
    %add3A = arith.addi %mul3A_0, %arg0 : i32
    %mul3A_1 = arith.constant 2 : i32
    %mul3A_2 = arith.muli %add3A, %mul3A_1 : i32
    "tpu.region"() ({
      %run_scoped3A = tpu.sem_alloc : memref<!tpu.dma_semaphore, #tpu.memory_space<semaphore_mem>>
      tpu.enqueue_dma source(%arg3 : memref<18432xf32, #tpu.memory_space<hbm>>) target(%arg5 : memref<18432xf32, #tpu.memory_space<vmem>>) target_semaphore(%run_scoped3A : memref<!tpu.dma_semaphore, #tpu.memory_space<semaphore_mem>>)
      tpu.wait_dma2 semaphore(%run_scoped3A : memref<!tpu.dma_semaphore, #tpu.memory_space<semaphore_mem>>) src(%arg3 : memref<18432xf32, #tpu.memory_space<hbm>>) dst(%arg5 : memref<18432xf32, #tpu.memory_space<vmem>>)
      tpu.yield
    }) : () -> ()
    %scan3A = arith.constant 0 : i32
    %scan3A_3 = arith.constant 0 : i32
    %scan3A_4 = arith.constant 16 : i32
    %scan3A_5 = arith.addi %scan3A_3, %scan3A_4 : i32
    %scan3A_6 = arith.constant 1 : i32
    scf.for %scan3A_19 = %scan3A_3 to %scan3A_5 step %scan3A_6  : i32 {
      %mul3A_20 = arith.constant 2 : i32
      %mul3A_21 = arith.muli %scan3A_19, %mul3A_20 : i32
      %add3A_22 = arith.constant 0 : i32
      %add3A_23 = arith.addi %mul3A_21, %add3A_22 : i32
      %jit3A = arith.constant 16 : i32
      %div3A = arith.divsi %add3A_23, %jit3A : i32
      %sign3A = arith.constant 0 : i32
      %sign3A_24 = arith.cmpi sgt, %add3A_23, %sign3A : i32
      %sign3A_25 = arith.extui %sign3A_24 : i1 to i32
      %sign3A_26 = arith.constant 0 : i32
      %sign3A_27 = arith.cmpi slt, %add3A_23, %sign3A_26 : i32
      %sign3A_28 = arith.extui %sign3A_27 : i1 to i32
      %sign3A_29 = arith.subi %sign3A_25, %sign3A_28 : i32
      %sign3A_30 = arith.constant 0 : i32
      %sign3A_31 = arith.cmpi sgt, %jit3A, %sign3A_30 : i32
      %sign3A_32 = arith.extui %sign3A_31 : i1 to i32
      %sign3A_33 = arith.constant 0 : i32
      %sign3A_34 = arith.cmpi slt, %jit3A, %sign3A_33 : i32
      %sign3A_35 = arith.extui %sign3A_34 : i1 to i32
      %sign3A_36 = arith.subi %sign3A_32, %sign3A_35 : i32
      %ne3A = arith.cmpi ne, %sign3A_29, %sign3A_36 : i32
      %rem3A = arith.remsi %add3A_23, %jit3A : i32
      %ne3A_37 = arith.constant 0 : i32
      %ne3A_38 = arith.cmpi ne, %rem3A, %ne3A_37 : i32
      %and3A = arith.andi %ne3A, %ne3A_38 : i1
      %sub3A = arith.constant 1 : i32
      %sub3A_39 = arith.subi %div3A, %sub3A : i32
      %select_n3A = arith.select %and3A, %sub3A_39, %div3A : i32
      %jit3A_40 = arith.constant 16 : i32
      %eq3A = arith.constant 0 : i32
      %eq3A_41 = arith.cmpi eq, %jit3A_40, %eq3A : i32
      %jit3A_42 = arith.constant 1 : i32
      %select_n3A_43 = arith.select %eq3A_41, %jit3A_42, %jit3A_40 : i32
      %rem3A_44 = arith.remsi %add3A_23, %select_n3A_43 : i32
      %ne3A_45 = arith.constant 0 : i32
      %ne3A_46 = arith.cmpi ne, %rem3A_44, %ne3A_45 : i32
      %lt3A = arith.constant 0 : i32
      %lt3A_47 = arith.cmpi slt, %rem3A_44, %lt3A : i32
      %lt3A_48 = arith.constant 0 : i32
      %lt3A_49 = arith.cmpi slt, %select_n3A_43, %lt3A_48 : i32
      %ne3A_50 = arith.xori %lt3A_47, %lt3A_49 : i1
      %and3A_51 = arith.andi %ne3A_50, %ne3A_46 : i1
      %add3A_52 = arith.addi %rem3A_44, %select_n3A_43 : i32
      %select_n3A_53 = arith.select %and3A_51, %add3A_52, %rem3A_44 : i32
      %add3A_54 = arith.addi %mul3A_2, %select_n3A : i32
      %mul3A_55 = arith.constant 64 : i32
      %mul3A_56 = arith.muli %add3A_54, %mul3A_55 : i32
      %mul3A_57 = arith.constant 4 : i32
      %mul3A_58 = arith.muli %select_n3A_53, %mul3A_57 : i32
      %add3A_59 = arith.addi %mul3A_56, %mul3A_58 : i32
      %mul3A_60 = arith.constant 10112 : i32
      %mul3A_61 = arith.muli %add3A_59, %mul3A_60 : i32
      %eq3A_62 = arith.constant 0 : i32
      %eq3A_63 = arith.cmpi eq, %select_n3A_53, %eq3A_62 : i32
      %convert_element_type3A = arith.extui %eq3A_63 : i1 to i32
      %cond3A = arith.constant 0 : i32
      %cond3A_64 = arith.cmpi ne, %convert_element_type3A, %cond3A : i32
      scf.if %cond3A_64 {
        %add3A_216 = arith.addi %mul3A_2, %select_n3A : i32
        "tpu.region"() ({
          %run_scoped3A = tpu.sem_alloc : memref<!tpu.dma_semaphore, #tpu.memory_space<semaphore_mem>>
          %dma_start3A_232 = arith.constant 0 : i32
          %dma_start3A_233 = tpu.memref_slice %arg2[%add3A_216, %dma_start3A_232] : memref<64x10000xf32, #tpu.memory_space<hbm>> -> memref<1x10000xf32, #tpu.memory_space<hbm>>
          %dma_start3A_234 = tpu.memref_squeeze %dma_start3A_233 : memref<1x10000xf32, #tpu.memory_space<hbm>> -> memref<10000xf32, #tpu.memory_space<hbm>>
          %dma_start3A_235 = arith.constant 0 : i32
          %dma_start3A_236 = tpu.memref_slice %arg2[%add3A_216, %dma_start3A_235] : memref<64x10000xf32, #tpu.memory_space<hbm>> -> memref<1x10000xf32, #tpu.memory_space<hbm>>
          %dma_start3A_237 = tpu.memref_squeeze %dma_start3A_236 : memref<1x10000xf32, #tpu.memory_space<hbm>> -> memref<10000xf32, #tpu.memory_space<hbm>>
          tpu.enqueue_dma source(%dma_start3A_237 : memref<10000xf32, #tpu.memory_space<hbm>>) target(%arg6 : memref<10000xf32, #tpu.memory_space<vmem>>) target_semaphore(%run_scoped3A : memref<!tpu.dma_semaphore, #tpu.memory_space<semaphore_mem>>)
          %dma_wait3A_238 = arith.constant 0 : i32
          %dma_wait3A_239 = tpu.memref_slice %arg2[%add3A_216, %dma_wait3A_238] : memref<64x10000xf32, #tpu.memory_space<hbm>> -> memref<1x10000xf32, #tpu.memory_space<hbm>>
          %dma_wait3A_240 = tpu.memref_squeeze %dma_wait3A_239 : memref<1x10000xf32, #tpu.memory_space<hbm>> -> memref<10000xf32, #tpu.memory_space<hbm>>
          %dma_wait3A_241 = arith.constant 0 : i32
          %dma_wait3A_242 = tpu.memref_slice %arg2[%add3A_216, %dma_wait3A_241] : memref<64x10000xf32, #tpu.memory_space<hbm>> -> memref<1x10000xf32, #tpu.memory_space<hbm>>
          %dma_wait3A_243 = tpu.memref_squeeze %dma_wait3A_242 : memref<1x10000xf32, #tpu.memory_space<hbm>> -> memref<10000xf32, #tpu.memory_space<hbm>>
          tpu.wait_dma2 semaphore(%run_scoped3A : memref<!tpu.dma_semaphore, #tpu.memory_space<semaphore_mem>>) src(%dma_wait3A_243 : memref<10000xf32, #tpu.memory_space<hbm>>) dst(%arg6 : memref<10000xf32, #tpu.memory_space<vmem>>)
          tpu.yield
        }) : () -> ()
        %parallel_loop3A_217 = arith.constant 0 : i32
        %parallel_loop3A_218 = arith.constant 312 : i32
        %parallel_loop3A_219 = arith.constant 1 : i32
        scf.for %parallel_loop3A_232 = %parallel_loop3A_217 to %parallel_loop3A_218 step %parallel_loop3A_219  : i32 {
          %parallel_loop3A_233 = arith.constant 2 : i32
          %parallel_loop3A_234 = arith.muli %parallel_loop3A_233, %parallel_loop3A_232 : i32
          %parallel_loop3A_235 = arith.constant 16 : i32
          %parallel_loop3A_236 = arith.muli %parallel_loop3A_234, %parallel_loop3A_235 : i32
          %parallel_loop3A_237 = arith.index_cast %parallel_loop3A_236 : i32 to index
          %parallel_loop3A_238 = tpu.vector_load %arg6[%parallel_loop3A_237] {strides = array<i32>} : memref<10000xf32, #tpu.memory_space<vmem>>, vector<16xf32>,
          %parallel_loop3A_239 = arith.constant 2 : i32
          %parallel_loop3A_240 = arith.muli %parallel_loop3A_239, %parallel_loop3A_232 : i32
          %parallel_loop3A_241 = arith.constant 1 : i32
          %parallel_loop3A_242 = arith.addi %parallel_loop3A_240, %parallel_loop3A_241 : i32
          %parallel_loop3A_243 = arith.constant 16 : i32
          %parallel_loop3A_244 = arith.muli %parallel_loop3A_242, %parallel_loop3A_243 : i32
          %parallel_loop3A_245 = arith.index_cast %parallel_loop3A_244 : i32 to index
          %parallel_loop3A_246 = tpu.vector_load %arg6[%parallel_loop3A_245] {strides = array<i32>} : memref<10000xf32, #tpu.memory_space<vmem>>, vector<16xf32>,
          %parallel_loop3A_247 = arith.constant 2.880000e+02 : f32
          %parallel_loop3A_248 = vector.broadcast %parallel_loop3A_247 : f32 to vector<16xf32>
          %parallel_loop3A_249 = arith.mulf %parallel_loop3A_238, %parallel_loop3A_248 : vector<16xf32>
          %parallel_loop3A_250 = arith.fptosi %parallel_loop3A_249 : vector<16xf32> to vector<16xi32>
          %parallel_loop3A_251 = arith.constant 0 : i32
          %parallel_loop3A_252 = arith.constant 287 : i32
          %parallel_loop3A_253 = vector.broadcast %parallel_loop3A_251 : i32 to vector<16xi32>
          %parallel_loop3A_254 = arith.maxsi %parallel_loop3A_253, %parallel_loop3A_250 : vector<16xi32>
          %parallel_loop3A_255 = vector.broadcast %parallel_loop3A_252 : i32 to vector<16xi32>
          %parallel_loop3A_256 = arith.minsi %parallel_loop3A_255, %parallel_loop3A_254 : vector<16xi32>
          %parallel_loop3A_257 = arith.constant 2.880000e+02 : f32
          %parallel_loop3A_258 = vector.broadcast %parallel_loop3A_257 : f32 to vector<16xf32>
          %parallel_loop3A_259 = arith.mulf %parallel_loop3A_246, %parallel_loop3A_258 : vector<16xf32>
          %parallel_loop3A_260 = arith.fptosi %parallel_loop3A_259 : vector<16xf32> to vector<16xi32>
          %parallel_loop3A_261 = arith.constant 0 : i32
          %parallel_loop3A_262 = arith.constant 287 : i32
          %parallel_loop3A_263 = vector.broadcast %parallel_loop3A_261 : i32 to vector<16xi32>
          %parallel_loop3A_264 = arith.maxsi %parallel_loop3A_263, %parallel_loop3A_260 : vector<16xi32>
          %parallel_loop3A_265 = vector.broadcast %parallel_loop3A_262 : i32 to vector<16xi32>
          %parallel_loop3A_266 = arith.minsi %parallel_loop3A_265, %parallel_loop3A_264 : vector<16xi32>
          %parallel_loop3A_267 = arith.constant 16 : i32
          %parallel_loop3A_268 = vector.broadcast %parallel_loop3A_267 : i32 to vector<16xi32>
          %parallel_loop3A_269 = arith.shli %parallel_loop3A_266, %parallel_loop3A_268 : vector<16xi32>
          %parallel_loop3A_270 = arith.ori %parallel_loop3A_256, %parallel_loop3A_269 : vector<16xi32>
          %parallel_loop3A_271 = arith.constant 16 : i32
          %parallel_loop3A_272 = arith.muli %parallel_loop3A_232, %parallel_loop3A_271 : i32
          %parallel_loop3A_273 = arith.index_cast %parallel_loop3A_272 : i32 to index
          %parallel_loop3A_274 = tpu.vector_load %arg7[%parallel_loop3A_273] {strides = array<i32>} : memref<10000xi32, #tpu.memory_space<vmem>>, vector<16xi32>,
          tpu.vector_store %arg7[%parallel_loop3A_273], %parallel_loop3A_270 {strides = array<i32>} : memref<10000xi32, #tpu.memory_space<vmem>>, vector<16xi32>,
        } {sc.loop_unroll_factor = 5 : i64, sc.parallel_access}
        %get3A_220 = arith.constant 9984 : index
        %get3A_221 = tpu.vector_load %arg6[%get3A_220] {strides = array<i32>} : memref<10000xf32, #tpu.memory_space<vmem>>, vector<16xf32>,
        %mul3A_222 = arith.constant 2.880000e+02 : f32
        %mul3A_223 = vector.broadcast %mul3A_222 : f32 to vector<16xf32>
        %mul3A_224 = arith.mulf %get3A_221, %mul3A_223 : vector<16xf32>
        %convert_element_type3A_225 = arith.fptosi %mul3A_224 : vector<16xf32> to vector<16xi32>
        %jit3A_226 = arith.constant 0 : i32
        %jit3A_227 = arith.constant 287 : i32
        %max3A = vector.broadcast %jit3A_226 : i32 to vector<16xi32>
        %max3A_228 = arith.maxsi %max3A, %convert_element_type3A_225 : vector<16xi32>
        %min3A = vector.broadcast %jit3A_227 : i32 to vector<16xi32>
        %min3A_229 = arith.minsi %min3A, %max3A_228 : vector<16xi32>
        %swap3A_230 = arith.constant 4992 : index
        %swap3A_231 = tpu.vector_load %arg7[%swap3A_230] {strides = array<i32>} : memref<10000xi32, #tpu.memory_space<vmem>>, vector<16xi32>,
        tpu.vector_store %arg7[%swap3A_230], %min3A_229 {strides = array<i32>} : memref<10000xi32, #tpu.memory_space<vmem>>, vector<16xi32>,
      } else {
      }
      %gt3A = arith.constant 0 : i32
      %gt3A_65 = arith.cmpi sgt, %scan3A_19, %gt3A : i32
      %convert_element_type3A_66 = arith.extui %gt3A_65 : i1 to i32
      %cond3A_67 = arith.constant 0 : i32
      %cond3A_68 = arith.cmpi ne, %convert_element_type3A_66, %cond3A_67 : i32
      scf.if %cond3A_68 {
        %dma_wait3A_216 = tpu.memref_slice %arg4[%mul3A_61] : memref<41418752xf32, #tpu.memory_space<hbm>> -> memref<40448xf32, #tpu.memory_space<hbm>>
        %dma_wait3A_217 = tpu.memref_slice %arg4[%mul3A_61] : memref<41418752xf32, #tpu.memory_space<hbm>> -> memref<40448xf32, #tpu.memory_space<hbm>>
        tpu.wait_dma2 semaphore(%arg10 : memref<!tpu.dma_semaphore, #tpu.memory_space<semaphore_mem>>) src(%arg8 : memref<40448xf32, #tpu.memory_space<vmem>>) dst(%dma_wait3A_217 : memref<40448xf32, #tpu.memory_space<hbm>>)
      } else {
      }
      %mul3A_69 = arith.constant 4 : i32
      %mul3A_70 = arith.muli %select_n3A_53, %mul3A_69 : i32
      %parallel_loop3A = arith.constant 0 : i32
      %parallel_loop3A_71 = arith.constant 312 : i32
      %parallel_loop3A_72 = arith.constant 1 : i32
      scf.for %parallel_loop3A_216 = %parallel_loop3A to %parallel_loop3A_71 step %parallel_loop3A_72  : i32 {
        %parallel_loop3A_217 = arith.constant 16 : i32
        %parallel_loop3A_218 = arith.muli %parallel_loop3A_216, %parallel_loop3A_217 : i32
        %parallel_loop3A_219 = arith.index_cast %parallel_loop3A_218 : i32 to index
        %parallel_loop3A_220 = tpu.vector_load %arg7[%parallel_loop3A_219] {strides = array<i32>} : memref<10000xi32, #tpu.memory_space<vmem>>, vector<16xi32>,
        %parallel_loop3A_221 = arith.constant 65535 : i32
        %parallel_loop3A_222 = vector.broadcast %parallel_loop3A_221 : i32 to vector<16xi32>
        %parallel_loop3A_223 = arith.andi %parallel_loop3A_220, %parallel_loop3A_222 : vector<16xi32>
        %parallel_loop3A_224 = arith.constant 16 : i32
        %parallel_loop3A_225 = vector.broadcast %parallel_loop3A_224 : i32 to vector<16xi32>
        %parallel_loop3A_226 = arith.shrsi %parallel_loop3A_220, %parallel_loop3A_225 : vector<16xi32>
        %parallel_loop3A_227 = arith.constant 0 : i32
        %parallel_loop3A_228 = arith.addi %mul3A_70, %parallel_loop3A_227 : i32
        %parallel_loop3A_229 = arith.constant 288 : i32
        %parallel_loop3A_230 = arith.muli %parallel_loop3A_228, %parallel_loop3A_229 : i32
        %parallel_loop3A_231 = vector.broadcast %parallel_loop3A_230 : i32 to vector<16xi32>
        %parallel_loop3A_232 = arith.addi %parallel_loop3A_223, %parallel_loop3A_231 : vector<16xi32>
        %parallel_loop3A_233 = tpu.vector_load_idx %arg5[%parallel_loop3A_232] : memref<18432xf32, #tpu.memory_space<vmem>>[vector<16xi32>], vector<16xf32>,
        %parallel_loop3A_234 = arith.constant 2 : i32
        %parallel_loop3A_235 = arith.muli %parallel_loop3A_234, %parallel_loop3A_216 : i32
        %parallel_loop3A_236 = arith.constant 16 : i32
        %parallel_loop3A_237 = arith.muli %parallel_loop3A_235, %parallel_loop3A_236 : i32
        %parallel_loop3A_238 = arith.constant 0 : i32
        %parallel_loop3A_239 = arith.addi %parallel_loop3A_238, %parallel_loop3A_237 : i32
        %parallel_loop3A_240 = arith.index_cast %parallel_loop3A_239 : i32 to index
        %parallel_loop3A_241 = tpu.vector_load %arg8[%parallel_loop3A_240] {strides = array<i32>} : memref<40448xf32, #tpu.memory_space<vmem>>, vector<16xf32>,
        tpu.vector_store %arg8[%parallel_loop3A_240], %parallel_loop3A_233 {strides = array<i32>} : memref<40448xf32, #tpu.memory_space<vmem>>, vector<16xf32>,
        %parallel_loop3A_242 = arith.constant 0 : i32
        %parallel_loop3A_243 = arith.addi %mul3A_70, %parallel_loop3A_242 : i32
        %parallel_loop3A_244 = arith.constant 288 : i32
        %parallel_loop3A_245 = arith.muli %parallel_loop3A_243, %parallel_loop3A_244 : i32
        %parallel_loop3A_246 = vector.broadcast %parallel_loop3A_245 : i32 to vector<16xi32>
        %parallel_loop3A_247 = arith.addi %parallel_loop3A_226, %parallel_loop3A_246 : vector<16xi32>
        %parallel_loop3A_248 = tpu.vector_load_idx %arg5[%parallel_loop3A_247] : memref<18432xf32, #tpu.memory_space<vmem>>[vector<16xi32>], vector<16xf32>,
        %parallel_loop3A_249 = arith.constant 2 : i32
        %parallel_loop3A_250 = arith.muli %parallel_loop3A_249, %parallel_loop3A_216 : i32
        %parallel_loop3A_251 = arith.constant 1 : i32
        %parallel_loop3A_252 = arith.addi %parallel_loop3A_250, %parallel_loop3A_251 : i32
        %parallel_loop3A_253 = arith.constant 16 : i32
        %parallel_loop3A_254 = arith.muli %parallel_loop3A_252, %parallel_loop3A_253 : i32
        %parallel_loop3A_255 = arith.constant 0 : i32
        %parallel_loop3A_256 = arith.addi %parallel_loop3A_255, %parallel_loop3A_254 : i32
        %parallel_loop3A_257 = arith.index_cast %parallel_loop3A_256 : i32 to index
        %parallel_loop3A_258 = tpu.vector_load %arg8[%parallel_loop3A_257] {strides = array<i32>} : memref<40448xf32, #tpu.memory_space<vmem>>, vector<16xf32>,
        tpu.vector_store %arg8[%parallel_loop3A_257], %parallel_loop3A_248 {strides = array<i32>} : memref<40448xf32, #tpu.memory_space<vmem>>, vector<16xf32>,
        %parallel_loop3A_259 = arith.constant 1 : i32
        %parallel_loop3A_260 = arith.addi %mul3A_70, %parallel_loop3A_259 : i32
        %parallel_loop3A_261 = arith.constant 288 : i32
        %parallel_loop3A_262 = arith.muli %parallel_loop3A_260, %parallel_loop3A_261 : i32
        %parallel_loop3A_263 = vector.broadcast %parallel_loop3A_262 : i32 to vector<16xi32>
        %parallel_loop3A_264 = arith.addi %parallel_loop3A_223, %parallel_loop3A_263 : vector<16xi32>
        %parallel_loop3A_265 = tpu.vector_load_idx %arg5[%parallel_loop3A_264] : memref<18432xf32, #tpu.memory_space<vmem>>[vector<16xi32>], vector<16xf32>,
        %parallel_loop3A_266 = arith.constant 2 : i32
        %parallel_loop3A_267 = arith.muli %parallel_loop3A_266, %parallel_loop3A_216 : i32
        %parallel_loop3A_268 = arith.constant 16 : i32
        %parallel_loop3A_269 = arith.muli %parallel_loop3A_267, %parallel_loop3A_268 : i32
        %parallel_loop3A_270 = arith.constant 10112 : i32
        %parallel_loop3A_271 = arith.addi %parallel_loop3A_270, %parallel_loop3A_269 : i32
        %parallel_loop3A_272 = arith.index_cast %parallel_loop3A_271 : i32 to index
        %parallel_loop3A_273 = tpu.vector_load %arg8[%parallel_loop3A_272] {strides = array<i32>} : memref<40448xf32, #tpu.memory_space<vmem>>, vector<16xf32>,
        tpu.vector_store %arg8[%parallel_loop3A_272], %parallel_loop3A_265 {strides = array<i32>} : memref<40448xf32, #tpu.memory_space<vmem>>, vector<16xf32>,
        %parallel_loop3A_274 = arith.constant 1 : i32
        %parallel_loop3A_275 = arith.addi %mul3A_70, %parallel_loop3A_274 : i32
        %parallel_loop3A_276 = arith.constant 288 : i32
        %parallel_loop3A_277 = arith.muli %parallel_loop3A_275, %parallel_loop3A_276 : i32
        %parallel_loop3A_278 = vector.broadcast %parallel_loop3A_277 : i32 to vector<16xi32>
        %parallel_loop3A_279 = arith.addi %parallel_loop3A_226, %parallel_loop3A_278 : vector<16xi32>
        %parallel_loop3A_280 = tpu.vector_load_idx %arg5[%parallel_loop3A_279] : memref<18432xf32, #tpu.memory_space<vmem>>[vector<16xi32>], vector<16xf32>,
        %parallel_loop3A_281 = arith.constant 2 : i32
        %parallel_loop3A_282 = arith.muli %parallel_loop3A_281, %parallel_loop3A_216 : i32
        %parallel_loop3A_283 = arith.constant 1 : i32
        %parallel_loop3A_284 = arith.addi %parallel_loop3A_282, %parallel_loop3A_283 : i32
        %parallel_loop3A_285 = arith.constant 16 : i32
        %parallel_loop3A_286 = arith.muli %parallel_loop3A_284, %parallel_loop3A_285 : i32
        %parallel_loop3A_287 = arith.constant 10112 : i32
        %parallel_loop3A_288 = arith.addi %parallel_loop3A_287, %parallel_loop3A_286 : i32
        %parallel_loop3A_289 = arith.index_cast %parallel_loop3A_288 : i32 to index
        %parallel_loop3A_290 = tpu.vector_load %arg8[%parallel_loop3A_289] {strides = array<i32>} : memref<40448xf32, #tpu.memory_space<vmem>>, vector<16xf32>,
        tpu.vector_store %arg8[%parallel_loop3A_289], %parallel_loop3A_280 {strides = array<i32>} : memref<40448xf32, #tpu.memory_space<vmem>>, vector<16xf32>,
        %parallel_loop3A_291 = arith.constant 2 : i32
        %parallel_loop3A_292 = arith.addi %mul3A_70, %parallel_loop3A_291 : i32
        %parallel_loop3A_293 = arith.constant 288 : i32
        %parallel_loop3A_294 = arith.muli %parallel_loop3A_292, %parallel_loop3A_293 : i32
        %parallel_loop3A_295 = vector.broadcast %parallel_loop3A_294 : i32 to vector<16xi32>
        %parallel_loop3A_296 = arith.addi %parallel_loop3A_223, %parallel_loop3A_295 : vector<16xi32>
        %parallel_loop3A_297 = tpu.vector_load_idx %arg5[%parallel_loop3A_296] : memref<18432xf32, #tpu.memory_space<vmem>>[vector<16xi32>], vector<16xf32>,
        %parallel_loop3A_298 = arith.constant 2 : i32
        %parallel_loop3A_299 = arith.muli %parallel_loop3A_298, %parallel_loop3A_216 : i32
        %parallel_loop3A_300 = arith.constant 16 : i32
        %parallel_loop3A_301 = arith.muli %parallel_loop3A_299, %parallel_loop3A_300 : i32
        %parallel_loop3A_302 = arith.constant 20224 : i32
        %parallel_loop3A_303 = arith.addi %parallel_loop3A_302, %parallel_loop3A_301 : i32
        %parallel_loop3A_304 = arith.index_cast %parallel_loop3A_303 : i32 to index
        %parallel_loop3A_305 = tpu.vector_load %arg8[%parallel_loop3A_304] {strides = array<i32>} : memref<40448xf32, #tpu.memory_space<vmem>>, vector<16xf32>,
        tpu.vector_store %arg8[%parallel_loop3A_304], %parallel_loop3A_297 {strides = array<i32>} : memref<40448xf32, #tpu.memory_space<vmem>>, vector<16xf32>,
        %parallel_loop3A_306 = arith.constant 2 : i32
        %parallel_loop3A_307 = arith.addi %mul3A_70, %parallel_loop3A_306 : i32
        %parallel_loop3A_308 = arith.constant 288 : i32
        %parallel_loop3A_309 = arith.muli %parallel_loop3A_307, %parallel_loop3A_308 : i32
        %parallel_loop3A_310 = vector.broadcast %parallel_loop3A_309 : i32 to vector<16xi32>
        %parallel_loop3A_311 = arith.addi %parallel_loop3A_226, %parallel_loop3A_310 : vector<16xi32>
        %parallel_loop3A_312 = tpu.vector_load_idx %arg5[%parallel_loop3A_311] : memref<18432xf32, #tpu.memory_space<vmem>>[vector<16xi32>], vector<16xf32>,
        %parallel_loop3A_313 = arith.constant 2 : i32
        %parallel_loop3A_314 = arith.muli %parallel_loop3A_313, %parallel_loop3A_216 : i32
        %parallel_loop3A_315 = arith.constant 1 : i32
        %parallel_loop3A_316 = arith.addi %parallel_loop3A_314, %parallel_loop3A_315 : i32
        %parallel_loop3A_317 = arith.constant 16 : i32
        %parallel_loop3A_318 = arith.muli %parallel_loop3A_316, %parallel_loop3A_317 : i32
        %parallel_loop3A_319 = arith.constant 20224 : i32
        %parallel_loop3A_320 = arith.addi %parallel_loop3A_319, %parallel_loop3A_318 : i32
        %parallel_loop3A_321 = arith.index_cast %parallel_loop3A_320 : i32 to index
        %parallel_loop3A_322 = tpu.vector_load %arg8[%parallel_loop3A_321] {strides = array<i32>} : memref<40448xf32, #tpu.memory_space<vmem>>, vector<16xf32>,
        tpu.vector_store %arg8[%parallel_loop3A_321], %parallel_loop3A_312 {strides = array<i32>} : memref<40448xf32, #tpu.memory_space<vmem>>, vector<16xf32>,
        %parallel_loop3A_323 = arith.constant 3 : i32
        %parallel_loop3A_324 = arith.addi %mul3A_70, %parallel_loop3A_323 : i32
        %parallel_loop3A_325 = arith.constant 288 : i32
        %parallel_loop3A_326 = arith.muli %parallel_loop3A_324, %parallel_loop3A_325 : i32
        %parallel_loop3A_327 = vector.broadcast %parallel_loop3A_326 : i32 to vector<16xi32>
        %parallel_loop3A_328 = arith.addi %parallel_loop3A_223, %parallel_loop3A_327 : vector<16xi32>
        %parallel_loop3A_329 = tpu.vector_load_idx %arg5[%parallel_loop3A_328] : memref<18432xf32, #tpu.memory_space<vmem>>[vector<16xi32>], vector<16xf32>,
        %parallel_loop3A_330 = arith.constant 2 : i32
        %parallel_loop3A_331 = arith.muli %parallel_loop3A_330, %parallel_loop3A_216 : i32
        %parallel_loop3A_332 = arith.constant 16 : i32
        %parallel_loop3A_333 = arith.muli %parallel_loop3A_331, %parallel_loop3A_332 : i32
        %parallel_loop3A_334 = arith.constant 30336 : i32
        %parallel_loop3A_335 = arith.addi %parallel_loop3A_334, %parallel_loop3A_333 : i32
        %parallel_loop3A_336 = arith.index_cast %parallel_loop3A_335 : i32 to index
        %parallel_loop3A_337 = tpu.vector_load %arg8[%parallel_loop3A_336] {strides = array<i32>} : memref<40448xf32, #tpu.memory_space<vmem>>, vector<16xf32>,
        tpu.vector_store %arg8[%parallel_loop3A_336], %parallel_loop3A_329 {strides = array<i32>} : memref<40448xf32, #tpu.memory_space<vmem>>, vector<16xf32>,
        %parallel_loop3A_338 = arith.constant 3 : i32
        %parallel_loop3A_339 = arith.addi %mul3A_70, %parallel_loop3A_338 : i32
        %parallel_loop3A_340 = arith.constant 288 : i32
        %parallel_loop3A_341 = arith.muli %parallel_loop3A_339, %parallel_loop3A_340 : i32
        %parallel_loop3A_342 = vector.broadcast %parallel_loop3A_341 : i32 to vector<16xi32>
        %parallel_loop3A_343 = arith.addi %parallel_loop3A_226, %parallel_loop3A_342 : vector<16xi32>
        %parallel_loop3A_344 = tpu.vector_load_idx %arg5[%parallel_loop3A_343] : memref<18432xf32, #tpu.memory_space<vmem>>[vector<16xi32>], vector<16xf32>,
        %parallel_loop3A_345 = arith.constant 2 : i32
        %parallel_loop3A_346 = arith.muli %parallel_loop3A_345, %parallel_loop3A_216 : i32
        %parallel_loop3A_347 = arith.constant 1 : i32
        %parallel_loop3A_348 = arith.addi %parallel_loop3A_346, %parallel_loop3A_347 : i32
        %parallel_loop3A_349 = arith.constant 16 : i32
        %parallel_loop3A_350 = arith.muli %parallel_loop3A_348, %parallel_loop3A_349 : i32
        %parallel_loop3A_351 = arith.constant 30336 : i32
        %parallel_loop3A_352 = arith.addi %parallel_loop3A_351, %parallel_loop3A_350 : i32
        %parallel_loop3A_353 = arith.index_cast %parallel_loop3A_352 : i32 to index
        %parallel_loop3A_354 = tpu.vector_load %arg8[%parallel_loop3A_353] {strides = array<i32>} : memref<40448xf32, #tpu.memory_space<vmem>>, vector<16xf32>,
        tpu.vector_store %arg8[%parallel_loop3A_353], %parallel_loop3A_344 {strides = array<i32>} : memref<40448xf32, #tpu.memory_space<vmem>>, vector<16xf32>,
      } {sc.loop_unroll_factor = 8 : i64, sc.parallel_access}
      %get3A = arith.constant 4992 : index
      %get3A_73 = tpu.vector_load %arg7[%get3A] {strides = array<i32>} : memref<10000xi32, #tpu.memory_space<vmem>>, vector<16xi32>,
      %add3A_74 = arith.constant 0 : i32
      %add3A_75 = arith.addi %mul3A_70, %add3A_74 : i32
      %mul3A_76 = arith.constant 288 : i32
      %mul3A_77 = arith.muli %add3A_75, %mul3A_76 : i32
      %add3A_78 = vector.broadcast %mul3A_77 : i32 to vector<16xi32>
      %add3A_79 = arith.addi %get3A_73, %add3A_78 : vector<16xi32>
      %gather3A = tpu.vector_load_idx %arg5[%add3A_79] : memref<18432xf32, #tpu.memory_space<vmem>>[vector<16xi32>], vector<16xf32>,
      %swap3A = arith.constant 9984 : index
      %swap3A_80 = tpu.vector_load %arg8[%swap3A] {strides = array<i32>} : memref<40448xf32, #tpu.memory_space<vmem>>, vector<16xf32>,
      tpu.vector_store %arg8[%swap3A], %gather3A {strides = array<i32>} : memref<40448xf32, #tpu.memory_space<vmem>>, vector<16xf32>,
      %add3A_81 = arith.constant 1 : i32
      %add3A_82 = arith.addi %mul3A_70, %add3A_81 : i32
      %mul3A_83 = arith.constant 288 : i32
      %mul3A_84 = arith.muli %add3A_82, %mul3A_83 : i32
      %add3A_85 = vector.broadcast %mul3A_84 : i32 to vector<16xi32>
      %add3A_86 = arith.addi %get3A_73, %add3A_85 : vector<16xi32>
      %gather3A_87 = tpu.vector_load_idx %arg5[%add3A_86] : memref<18432xf32, #tpu.memory_space<vmem>>[vector<16xi32>], vector<16xf32>,
      %swap3A_88 = arith.constant 20096 : index
      %swap3A_89 = tpu.vector_load %arg8[%swap3A_88] {strides = array<i32>} : memref<40448xf32, #tpu.memory_space<vmem>>, vector<16xf32>,
      tpu.vector_store %arg8[%swap3A_88], %gather3A_87 {strides = array<i32>} : memref<40448xf32, #tpu.memory_space<vmem>>, vector<16xf32>,
      %add3A_90 = arith.constant 2 : i32
      %add3A_91 = arith.addi %mul3A_70, %add3A_90 : i32
      %mul3A_92 = arith.constant 288 : i32
      %mul3A_93 = arith.muli %add3A_91, %mul3A_92 : i32
      %add3A_94 = vector.broadcast %mul3A_93 : i32 to vector<16xi32>
      %add3A_95 = arith.addi %get3A_73, %add3A_94 : vector<16xi32>
      %gather3A_96 = tpu.vector_load_idx %arg5[%add3A_95] : memref<18432xf32, #tpu.memory_space<vmem>>[vector<16xi32>], vector<16xf32>,
      %swap3A_97 = arith.constant 30208 : index
      %swap3A_98 = tpu.vector_load %arg8[%swap3A_97] {strides = array<i32>} : memref<40448xf32, #tpu.memory_space<vmem>>, vector<16xf32>,
      tpu.vector_store %arg8[%swap3A_97], %gather3A_96 {strides = array<i32>} : memref<40448xf32, #tpu.memory_space<vmem>>, vector<16xf32>,
      %add3A_99 = arith.constant 3 : i32
      %add3A_100 = arith.addi %mul3A_70, %add3A_99 : i32
      %mul3A_101 = arith.constant 288 : i32
      %mul3A_102 = arith.muli %add3A_100, %mul3A_101 : i32
      %add3A_103 = vector.broadcast %mul3A_102 : i32 to vector<16xi32>
      %add3A_104 = arith.addi %get3A_73, %add3A_103 : vector<16xi32>
      %gather3A_105 = tpu.vector_load_idx %arg5[%add3A_104] : memref<18432xf32, #tpu.memory_space<vmem>>[vector<16xi32>], vector<16xf32>,
      %swap3A_106 = arith.constant 40320 : index
      %swap3A_107 = tpu.vector_load %arg8[%swap3A_106] {strides = array<i32>} : memref<40448xf32, #tpu.memory_space<vmem>>, vector<16xf32>,
      tpu.vector_store %arg8[%swap3A_106], %gather3A_105 {strides = array<i32>} : memref<40448xf32, #tpu.memory_space<vmem>>, vector<16xf32>,
      %dma_start3A = tpu.memref_slice %arg4[%mul3A_61] : memref<41418752xf32, #tpu.memory_space<hbm>> -> memref<40448xf32, #tpu.memory_space<hbm>>
      %dma_start3A_108 = tpu.memref_slice %arg4[%mul3A_61] : memref<41418752xf32, #tpu.memory_space<hbm>> -> memref<40448xf32, #tpu.memory_space<hbm>>
      tpu.enqueue_dma source(%arg8 : memref<40448xf32, #tpu.memory_space<vmem>>) target(%dma_start3A_108 : memref<40448xf32, #tpu.memory_space<hbm>>) target_semaphore(%arg10 : memref<!tpu.dma_semaphore, #tpu.memory_space<semaphore_mem>>)
      %mul3A_109 = arith.constant 2 : i32
      %mul3A_110 = arith.muli %scan3A_19, %mul3A_109 : i32
      %add3A_111 = arith.constant 1 : i32
      %add3A_112 = arith.addi %mul3A_110, %add3A_111 : i32
      %jit3A_113 = arith.constant 16 : i32
      %div3A_114 = arith.divsi %add3A_112, %jit3A_113 : i32
      %sign3A_115 = arith.constant 0 : i32
      %sign3A_116 = arith.cmpi sgt, %add3A_112, %sign3A_115 : i32
      %sign3A_117 = arith.extui %sign3A_116 : i1 to i32
      %sign3A_118 = arith.constant 0 : i32
      %sign3A_119 = arith.cmpi slt, %add3A_112, %sign3A_118 : i32
      %sign3A_120 = arith.extui %sign3A_119 : i1 to i32
      %sign3A_121 = arith.subi %sign3A_117, %sign3A_120 : i32
      %sign3A_122 = arith.constant 0 : i32
      %sign3A_123 = arith.cmpi sgt, %jit3A_113, %sign3A_122 : i32
      %sign3A_124 = arith.extui %sign3A_123 : i1 to i32
      %sign3A_125 = arith.constant 0 : i32
      %sign3A_126 = arith.cmpi slt, %jit3A_113, %sign3A_125 : i32
      %sign3A_127 = arith.extui %sign3A_126 : i1 to i32
      %sign3A_128 = arith.subi %sign3A_124, %sign3A_127 : i32
      %ne3A_129 = arith.cmpi ne, %sign3A_121, %sign3A_128 : i32
      %rem3A_130 = arith.remsi %add3A_112, %jit3A_113 : i32
      %ne3A_131 = arith.constant 0 : i32
      %ne3A_132 = arith.cmpi ne, %rem3A_130, %ne3A_131 : i32
      %and3A_133 = arith.andi %ne3A_129, %ne3A_132 : i1
      %sub3A_134 = arith.constant 1 : i32
      %sub3A_135 = arith.subi %div3A_114, %sub3A_134 : i32
      %select_n3A_136 = arith.select %and3A_133, %sub3A_135, %div3A_114 : i32
      %jit3A_137 = arith.constant 16 : i32
      %eq3A_138 = arith.constant 0 : i32
      %eq3A_139 = arith.cmpi eq, %jit3A_137, %eq3A_138 : i32
      %jit3A_140 = arith.constant 1 : i32
      %select_n3A_141 = arith.select %eq3A_139, %jit3A_140, %jit3A_137 : i32
      %rem3A_142 = arith.remsi %add3A_112, %select_n3A_141 : i32
      %ne3A_143 = arith.constant 0 : i32
      %ne3A_144 = arith.cmpi ne, %rem3A_142, %ne3A_143 : i32
      %lt3A_145 = arith.constant 0 : i32
      %lt3A_146 = arith.cmpi slt, %rem3A_142, %lt3A_145 : i32
      %lt3A_147 = arith.constant 0 : i32
      %lt3A_148 = arith.cmpi slt, %select_n3A_141, %lt3A_147 : i32
      %ne3A_149 = arith.xori %lt3A_146, %lt3A_148 : i1
      %and3A_150 = arith.andi %ne3A_149, %ne3A_144 : i1
      %add3A_151 = arith.addi %rem3A_142, %select_n3A_141 : i32
      %select_n3A_152 = arith.select %and3A_150, %add3A_151, %rem3A_142 : i32
      %add3A_153 = arith.addi %mul3A_2, %select_n3A_136 : i32
      %mul3A_154 = arith.constant 64 : i32
      %mul3A_155 = arith.muli %add3A_153, %mul3A_154 : i32
      %mul3A_156 = arith.constant 4 : i32
      %mul3A_157 = arith.muli %select_n3A_152, %mul3A_156 : i32
      %add3A_158 = arith.addi %mul3A_155, %mul3A_157 : i32
      %mul3A_159 = arith.constant 10112 : i32
      %mul3A_160 = arith.muli %add3A_158, %mul3A_159 : i32
      %eq3A_161 = arith.constant 0 : i32
      %eq3A_162 = arith.cmpi eq, %select_n3A_152, %eq3A_161 : i32
      %convert_element_type3A_163 = arith.extui %eq3A_162 : i1 to i32
      %cond3A_164 = arith.constant 0 : i32
      %cond3A_165 = arith.cmpi ne, %convert_element_type3A_163, %cond3A_164 : i32
      scf.if %cond3A_165 {
        %add3A_216 = arith.addi %mul3A_2, %select_n3A_136 : i32
        "tpu.region"() ({
          %run_scoped3A = tpu.sem_alloc : memref<!tpu.dma_semaphore, #tpu.memory_space<semaphore_mem>>
          %dma_start3A_232 = arith.constant 0 : i32
          %dma_start3A_233 = tpu.memref_slice %arg2[%add3A_216, %dma_start3A_232] : memref<64x10000xf32, #tpu.memory_space<hbm>> -> memref<1x10000xf32, #tpu.memory_space<hbm>>
          %dma_start3A_234 = tpu.memref_squeeze %dma_start3A_233 : memref<1x10000xf32, #tpu.memory_space<hbm>> -> memref<10000xf32, #tpu.memory_space<hbm>>
          %dma_start3A_235 = arith.constant 0 : i32
          %dma_start3A_236 = tpu.memref_slice %arg2[%add3A_216, %dma_start3A_235] : memref<64x10000xf32, #tpu.memory_space<hbm>> -> memref<1x10000xf32, #tpu.memory_space<hbm>>
          %dma_start3A_237 = tpu.memref_squeeze %dma_start3A_236 : memref<1x10000xf32, #tpu.memory_space<hbm>> -> memref<10000xf32, #tpu.memory_space<hbm>>
          tpu.enqueue_dma source(%dma_start3A_237 : memref<10000xf32, #tpu.memory_space<hbm>>) target(%arg6 : memref<10000xf32, #tpu.memory_space<vmem>>) target_semaphore(%run_scoped3A : memref<!tpu.dma_semaphore, #tpu.memory_space<semaphore_mem>>)
          %dma_wait3A_238 = arith.constant 0 : i32
          %dma_wait3A_239 = tpu.memref_slice %arg2[%add3A_216, %dma_wait3A_238] : memref<64x10000xf32, #tpu.memory_space<hbm>> -> memref<1x10000xf32, #tpu.memory_space<hbm>>
          %dma_wait3A_240 = tpu.memref_squeeze %dma_wait3A_239 : memref<1x10000xf32, #tpu.memory_space<hbm>> -> memref<10000xf32, #tpu.memory_space<hbm>>
          %dma_wait3A_241 = arith.constant 0 : i32
          %dma_wait3A_242 = tpu.memref_slice %arg2[%add3A_216, %dma_wait3A_241] : memref<64x10000xf32, #tpu.memory_space<hbm>> -> memref<1x10000xf32, #tpu.memory_space<hbm>>
          %dma_wait3A_243 = tpu.memref_squeeze %dma_wait3A_242 : memref<1x10000xf32, #tpu.memory_space<hbm>> -> memref<10000xf32, #tpu.memory_space<hbm>>
          tpu.wait_dma2 semaphore(%run_scoped3A : memref<!tpu.dma_semaphore, #tpu.memory_space<semaphore_mem>>) src(%dma_wait3A_243 : memref<10000xf32, #tpu.memory_space<hbm>>) dst(%arg6 : memref<10000xf32, #tpu.memory_space<vmem>>)
          tpu.yield
        }) : () -> ()
        %parallel_loop3A_217 = arith.constant 0 : i32
        %parallel_loop3A_218 = arith.constant 312 : i32
        %parallel_loop3A_219 = arith.constant 1 : i32
        scf.for %parallel_loop3A_232 = %parallel_loop3A_217 to %parallel_loop3A_218 step %parallel_loop3A_219  : i32 {
          %parallel_loop3A_233 = arith.constant 2 : i32
          %parallel_loop3A_234 = arith.muli %parallel_loop3A_233, %parallel_loop3A_232 : i32
          %parallel_loop3A_235 = arith.constant 16 : i32
          %parallel_loop3A_236 = arith.muli %parallel_loop3A_234, %parallel_loop3A_235 : i32
          %parallel_loop3A_237 = arith.index_cast %parallel_loop3A_236 : i32 to index
          %parallel_loop3A_238 = tpu.vector_load %arg6[%parallel_loop3A_237] {strides = array<i32>} : memref<10000xf32, #tpu.memory_space<vmem>>, vector<16xf32>,
          %parallel_loop3A_239 = arith.constant 2 : i32
          %parallel_loop3A_240 = arith.muli %parallel_loop3A_239, %parallel_loop3A_232 : i32
          %parallel_loop3A_241 = arith.constant 1 : i32
          %parallel_loop3A_242 = arith.addi %parallel_loop3A_240, %parallel_loop3A_241 : i32
          %parallel_loop3A_243 = arith.constant 16 : i32
          %parallel_loop3A_244 = arith.muli %parallel_loop3A_242, %parallel_loop3A_243 : i32
          %parallel_loop3A_245 = arith.index_cast %parallel_loop3A_244 : i32 to index
          %parallel_loop3A_246 = tpu.vector_load %arg6[%parallel_loop3A_245] {strides = array<i32>} : memref<10000xf32, #tpu.memory_space<vmem>>, vector<16xf32>,
          %parallel_loop3A_247 = arith.constant 2.880000e+02 : f32
          %parallel_loop3A_248 = vector.broadcast %parallel_loop3A_247 : f32 to vector<16xf32>
          %parallel_loop3A_249 = arith.mulf %parallel_loop3A_238, %parallel_loop3A_248 : vector<16xf32>
          %parallel_loop3A_250 = arith.fptosi %parallel_loop3A_249 : vector<16xf32> to vector<16xi32>
          %parallel_loop3A_251 = arith.constant 0 : i32
          %parallel_loop3A_252 = arith.constant 287 : i32
          %parallel_loop3A_253 = vector.broadcast %parallel_loop3A_251 : i32 to vector<16xi32>
          %parallel_loop3A_254 = arith.maxsi %parallel_loop3A_253, %parallel_loop3A_250 : vector<16xi32>
          %parallel_loop3A_255 = vector.broadcast %parallel_loop3A_252 : i32 to vector<16xi32>
          %parallel_loop3A_256 = arith.minsi %parallel_loop3A_255, %parallel_loop3A_254 : vector<16xi32>
          %parallel_loop3A_257 = arith.constant 2.880000e+02 : f32
          %parallel_loop3A_258 = vector.broadcast %parallel_loop3A_257 : f32 to vector<16xf32>
          %parallel_loop3A_259 = arith.mulf %parallel_loop3A_246, %parallel_loop3A_258 : vector<16xf32>
          %parallel_loop3A_260 = arith.fptosi %parallel_loop3A_259 : vector<16xf32> to vector<16xi32>
          %parallel_loop3A_261 = arith.constant 0 : i32
          %parallel_loop3A_262 = arith.constant 287 : i32
          %parallel_loop3A_263 = vector.broadcast %parallel_loop3A_261 : i32 to vector<16xi32>
          %parallel_loop3A_264 = arith.maxsi %parallel_loop3A_263, %parallel_loop3A_260 : vector<16xi32>
          %parallel_loop3A_265 = vector.broadcast %parallel_loop3A_262 : i32 to vector<16xi32>
          %parallel_loop3A_266 = arith.minsi %parallel_loop3A_265, %parallel_loop3A_264 : vector<16xi32>
          %parallel_loop3A_267 = arith.constant 16 : i32
          %parallel_loop3A_268 = vector.broadcast %parallel_loop3A_267 : i32 to vector<16xi32>
          %parallel_loop3A_269 = arith.shli %parallel_loop3A_266, %parallel_loop3A_268 : vector<16xi32>
          %parallel_loop3A_270 = arith.ori %parallel_loop3A_256, %parallel_loop3A_269 : vector<16xi32>
          %parallel_loop3A_271 = arith.constant 16 : i32
          %parallel_loop3A_272 = arith.muli %parallel_loop3A_232, %parallel_loop3A_271 : i32
          %parallel_loop3A_273 = arith.index_cast %parallel_loop3A_272 : i32 to index
          %parallel_loop3A_274 = tpu.vector_load %arg7[%parallel_loop3A_273] {strides = array<i32>} : memref<10000xi32, #tpu.memory_space<vmem>>, vector<16xi32>,
          tpu.vector_store %arg7[%parallel_loop3A_273], %parallel_loop3A_270 {strides = array<i32>} : memref<10000xi32, #tpu.memory_space<vmem>>, vector<16xi32>,
        } {sc.loop_unroll_factor = 5 : i64, sc.parallel_access}
        %get3A_220 = arith.constant 9984 : index
        %get3A_221 = tpu.vector_load %arg6[%get3A_220] {strides = array<i32>} : memref<10000xf32, #tpu.memory_space<vmem>>, vector<16xf32>,
        %mul3A_222 = arith.constant 2.880000e+02 : f32
        %mul3A_223 = vector.broadcast %mul3A_222 : f32 to vector<16xf32>
        %mul3A_224 = arith.mulf %get3A_221, %mul3A_223 : vector<16xf32>
        %convert_element_type3A_225 = arith.fptosi %mul3A_224 : vector<16xf32> to vector<16xi32>
        %jit3A_226 = arith.constant 0 : i32
        %jit3A_227 = arith.constant 287 : i32
        %max3A = vector.broadcast %jit3A_226 : i32 to vector<16xi32>
        %max3A_228 = arith.maxsi %max3A, %convert_element_type3A_225 : vector<16xi32>
        %min3A = vector.broadcast %jit3A_227 : i32 to vector<16xi32>
        %min3A_229 = arith.minsi %min3A, %max3A_228 : vector<16xi32>
        %swap3A_230 = arith.constant 4992 : index
        %swap3A_231 = tpu.vector_load %arg7[%swap3A_230] {strides = array<i32>} : memref<10000xi32, #tpu.memory_space<vmem>>, vector<16xi32>,
        tpu.vector_store %arg7[%swap3A_230], %min3A_229 {strides = array<i32>} : memref<10000xi32, #tpu.memory_space<vmem>>, vector<16xi32>,
      } else {
      }
      %gt3A_166 = arith.constant 0 : i32
      %gt3A_167 = arith.cmpi sgt, %scan3A_19, %gt3A_166 : i32
      %convert_element_type3A_168 = arith.extui %gt3A_167 : i1 to i32
      %cond3A_169 = arith.constant 0 : i32
      %cond3A_170 = arith.cmpi ne, %convert_element_type3A_168, %cond3A_169 : i32
      scf.if %cond3A_170 {
        %dma_wait3A_216 = tpu.memref_slice %arg4[%mul3A_160] : memref<41418752xf32, #tpu.memory_space<hbm>> -> memref<40448xf32, #tpu.memory_space<hbm>>
        %dma_wait3A_217 = tpu.memref_slice %arg4[%mul3A_160] : memref<41418752xf32, #tpu.memory_space<hbm>> -> memref<40448xf32, #tpu.memory_space<hbm>>
        tpu.wait_dma2 semaphore(%arg11 : memref<!tpu.dma_semaphore, #tpu.memory_space<semaphore_mem>>) src(%arg9 : memref<40448xf32, #tpu.memory_space<vmem>>) dst(%dma_wait3A_217 : memref<40448xf32, #tpu.memory_space<hbm>>)
      } else {
      }
      %mul3A_171 = arith.constant 4 : i32
      %mul3A_172 = arith.muli %select_n3A_152, %mul3A_171 : i32
      %parallel_loop3A_173 = arith.constant 0 : i32
      %parallel_loop3A_174 = arith.constant 312 : i32
      %parallel_loop3A_175 = arith.constant 1 : i32
      scf.for %parallel_loop3A_216 = %parallel_loop3A_173 to %parallel_loop3A_174 step %parallel_loop3A_175  : i32 {
        %parallel_loop3A_217 = arith.constant 16 : i32
        %parallel_loop3A_218 = arith.muli %parallel_loop3A_216, %parallel_loop3A_217 : i32
        %parallel_loop3A_219 = arith.index_cast %parallel_loop3A_218 : i32 to index
        %parallel_loop3A_220 = tpu.vector_load %arg7[%parallel_loop3A_219] {strides = array<i32>} : memref<10000xi32, #tpu.memory_space<vmem>>, vector<16xi32>,
        %parallel_loop3A_221 = arith.constant 65535 : i32
        %parallel_loop3A_222 = vector.broadcast %parallel_loop3A_221 : i32 to vector<16xi32>
        %parallel_loop3A_223 = arith.andi %parallel_loop3A_220, %parallel_loop3A_222 : vector<16xi32>
        %parallel_loop3A_224 = arith.constant 16 : i32
        %parallel_loop3A_225 = vector.broadcast %parallel_loop3A_224 : i32 to vector<16xi32>
        %parallel_loop3A_226 = arith.shrsi %parallel_loop3A_220, %parallel_loop3A_225 : vector<16xi32>
        %parallel_loop3A_227 = arith.constant 0 : i32
        %parallel_loop3A_228 = arith.addi %mul3A_172, %parallel_loop3A_227 : i32
        %parallel_loop3A_229 = arith.constant 288 : i32
        %parallel_loop3A_230 = arith.muli %parallel_loop3A_228, %parallel_loop3A_229 : i32
        %parallel_loop3A_231 = vector.broadcast %parallel_loop3A_230 : i32 to vector<16xi32>
        %parallel_loop3A_232 = arith.addi %parallel_loop3A_223, %parallel_loop3A_231 : vector<16xi32>
        %parallel_loop3A_233 = tpu.vector_load_idx %arg5[%parallel_loop3A_232] : memref<18432xf32, #tpu.memory_space<vmem>>[vector<16xi32>], vector<16xf32>,
        %parallel_loop3A_234 = arith.constant 2 : i32
        %parallel_loop3A_235 = arith.muli %parallel_loop3A_234, %parallel_loop3A_216 : i32
        %parallel_loop3A_236 = arith.constant 16 : i32
        %parallel_loop3A_237 = arith.muli %parallel_loop3A_235, %parallel_loop3A_236 : i32
        %parallel_loop3A_238 = arith.constant 0 : i32
        %parallel_loop3A_239 = arith.addi %parallel_loop3A_238, %parallel_loop3A_237 : i32
        %parallel_loop3A_240 = arith.index_cast %parallel_loop3A_239 : i32 to index
        %parallel_loop3A_241 = tpu.vector_load %arg9[%parallel_loop3A_240] {strides = array<i32>} : memref<40448xf32, #tpu.memory_space<vmem>>, vector<16xf32>,
        tpu.vector_store %arg9[%parallel_loop3A_240], %parallel_loop3A_233 {strides = array<i32>} : memref<40448xf32, #tpu.memory_space<vmem>>, vector<16xf32>,
        %parallel_loop3A_242 = arith.constant 0 : i32
        %parallel_loop3A_243 = arith.addi %mul3A_172, %parallel_loop3A_242 : i32
        %parallel_loop3A_244 = arith.constant 288 : i32
        %parallel_loop3A_245 = arith.muli %parallel_loop3A_243, %parallel_loop3A_244 : i32
        %parallel_loop3A_246 = vector.broadcast %parallel_loop3A_245 : i32 to vector<16xi32>
        %parallel_loop3A_247 = arith.addi %parallel_loop3A_226, %parallel_loop3A_246 : vector<16xi32>
        %parallel_loop3A_248 = tpu.vector_load_idx %arg5[%parallel_loop3A_247] : memref<18432xf32, #tpu.memory_space<vmem>>[vector<16xi32>], vector<16xf32>,
        %parallel_loop3A_249 = arith.constant 2 : i32
        %parallel_loop3A_250 = arith.muli %parallel_loop3A_249, %parallel_loop3A_216 : i32
        %parallel_loop3A_251 = arith.constant 1 : i32
        %parallel_loop3A_252 = arith.addi %parallel_loop3A_250, %parallel_loop3A_251 : i32
        %parallel_loop3A_253 = arith.constant 16 : i32
        %parallel_loop3A_254 = arith.muli %parallel_loop3A_252, %parallel_loop3A_253 : i32
        %parallel_loop3A_255 = arith.constant 0 : i32
        %parallel_loop3A_256 = arith.addi %parallel_loop3A_255, %parallel_loop3A_254 : i32
        %parallel_loop3A_257 = arith.index_cast %parallel_loop3A_256 : i32 to index
        %parallel_loop3A_258 = tpu.vector_load %arg9[%parallel_loop3A_257] {strides = array<i32>} : memref<40448xf32, #tpu.memory_space<vmem>>, vector<16xf32>,
        tpu.vector_store %arg9[%parallel_loop3A_257], %parallel_loop3A_248 {strides = array<i32>} : memref<40448xf32, #tpu.memory_space<vmem>>, vector<16xf32>,
        %parallel_loop3A_259 = arith.constant 1 : i32
        %parallel_loop3A_260 = arith.addi %mul3A_172, %parallel_loop3A_259 : i32
        %parallel_loop3A_261 = arith.constant 288 : i32
        %parallel_loop3A_262 = arith.muli %parallel_loop3A_260, %parallel_loop3A_261 : i32
        %parallel_loop3A_263 = vector.broadcast %parallel_loop3A_262 : i32 to vector<16xi32>
        %parallel_loop3A_264 = arith.addi %parallel_loop3A_223, %parallel_loop3A_263 : vector<16xi32>
        %parallel_loop3A_265 = tpu.vector_load_idx %arg5[%parallel_loop3A_264] : memref<18432xf32, #tpu.memory_space<vmem>>[vector<16xi32>], vector<16xf32>,
        %parallel_loop3A_266 = arith.constant 2 : i32
        %parallel_loop3A_267 = arith.muli %parallel_loop3A_266, %parallel_loop3A_216 : i32
        %parallel_loop3A_268 = arith.constant 16 : i32
        %parallel_loop3A_269 = arith.muli %parallel_loop3A_267, %parallel_loop3A_268 : i32
        %parallel_loop3A_270 = arith.constant 10112 : i32
        %parallel_loop3A_271 = arith.addi %parallel_loop3A_270, %parallel_loop3A_269 : i32
        %parallel_loop3A_272 = arith.index_cast %parallel_loop3A_271 : i32 to index
        %parallel_loop3A_273 = tpu.vector_load %arg9[%parallel_loop3A_272] {strides = array<i32>} : memref<40448xf32, #tpu.memory_space<vmem>>, vector<16xf32>,
        tpu.vector_store %arg9[%parallel_loop3A_272], %parallel_loop3A_265 {strides = array<i32>} : memref<40448xf32, #tpu.memory_space<vmem>>, vector<16xf32>,
        %parallel_loop3A_274 = arith.constant 1 : i32
        %parallel_loop3A_275 = arith.addi %mul3A_172, %parallel_loop3A_274 : i32
        %parallel_loop3A_276 = arith.constant 288 : i32
        %parallel_loop3A_277 = arith.muli %parallel_loop3A_275, %parallel_loop3A_276 : i32
        %parallel_loop3A_278 = vector.broadcast %parallel_loop3A_277 : i32 to vector<16xi32>
        %parallel_loop3A_279 = arith.addi %parallel_loop3A_226, %parallel_loop3A_278 : vector<16xi32>
        %parallel_loop3A_280 = tpu.vector_load_idx %arg5[%parallel_loop3A_279] : memref<18432xf32, #tpu.memory_space<vmem>>[vector<16xi32>], vector<16xf32>,
        %parallel_loop3A_281 = arith.constant 2 : i32
        %parallel_loop3A_282 = arith.muli %parallel_loop3A_281, %parallel_loop3A_216 : i32
        %parallel_loop3A_283 = arith.constant 1 : i32
        %parallel_loop3A_284 = arith.addi %parallel_loop3A_282, %parallel_loop3A_283 : i32
        %parallel_loop3A_285 = arith.constant 16 : i32
        %parallel_loop3A_286 = arith.muli %parallel_loop3A_284, %parallel_loop3A_285 : i32
        %parallel_loop3A_287 = arith.constant 10112 : i32
        %parallel_loop3A_288 = arith.addi %parallel_loop3A_287, %parallel_loop3A_286 : i32
        %parallel_loop3A_289 = arith.index_cast %parallel_loop3A_288 : i32 to index
        %parallel_loop3A_290 = tpu.vector_load %arg9[%parallel_loop3A_289] {strides = array<i32>} : memref<40448xf32, #tpu.memory_space<vmem>>, vector<16xf32>,
        tpu.vector_store %arg9[%parallel_loop3A_289], %parallel_loop3A_280 {strides = array<i32>} : memref<40448xf32, #tpu.memory_space<vmem>>, vector<16xf32>,
        %parallel_loop3A_291 = arith.constant 2 : i32
        %parallel_loop3A_292 = arith.addi %mul3A_172, %parallel_loop3A_291 : i32
        %parallel_loop3A_293 = arith.constant 288 : i32
        %parallel_loop3A_294 = arith.muli %parallel_loop3A_292, %parallel_loop3A_293 : i32
        %parallel_loop3A_295 = vector.broadcast %parallel_loop3A_294 : i32 to vector<16xi32>
        %parallel_loop3A_296 = arith.addi %parallel_loop3A_223, %parallel_loop3A_295 : vector<16xi32>
        %parallel_loop3A_297 = tpu.vector_load_idx %arg5[%parallel_loop3A_296] : memref<18432xf32, #tpu.memory_space<vmem>>[vector<16xi32>], vector<16xf32>,
        %parallel_loop3A_298 = arith.constant 2 : i32
        %parallel_loop3A_299 = arith.muli %parallel_loop3A_298, %parallel_loop3A_216 : i32
        %parallel_loop3A_300 = arith.constant 16 : i32
        %parallel_loop3A_301 = arith.muli %parallel_loop3A_299, %parallel_loop3A_300 : i32
        %parallel_loop3A_302 = arith.constant 20224 : i32
        %parallel_loop3A_303 = arith.addi %parallel_loop3A_302, %parallel_loop3A_301 : i32
        %parallel_loop3A_304 = arith.index_cast %parallel_loop3A_303 : i32 to index
        %parallel_loop3A_305 = tpu.vector_load %arg9[%parallel_loop3A_304] {strides = array<i32>} : memref<40448xf32, #tpu.memory_space<vmem>>, vector<16xf32>,
        tpu.vector_store %arg9[%parallel_loop3A_304], %parallel_loop3A_297 {strides = array<i32>} : memref<40448xf32, #tpu.memory_space<vmem>>, vector<16xf32>,
        %parallel_loop3A_306 = arith.constant 2 : i32
        %parallel_loop3A_307 = arith.addi %mul3A_172, %parallel_loop3A_306 : i32
        %parallel_loop3A_308 = arith.constant 288 : i32
        %parallel_loop3A_309 = arith.muli %parallel_loop3A_307, %parallel_loop3A_308 : i32
        %parallel_loop3A_310 = vector.broadcast %parallel_loop3A_309 : i32 to vector<16xi32>
        %parallel_loop3A_311 = arith.addi %parallel_loop3A_226, %parallel_loop3A_310 : vector<16xi32>
        %parallel_loop3A_312 = tpu.vector_load_idx %arg5[%parallel_loop3A_311] : memref<18432xf32, #tpu.memory_space<vmem>>[vector<16xi32>], vector<16xf32>,
        %parallel_loop3A_313 = arith.constant 2 : i32
        %parallel_loop3A_314 = arith.muli %parallel_loop3A_313, %parallel_loop3A_216 : i32
        %parallel_loop3A_315 = arith.constant 1 : i32
        %parallel_loop3A_316 = arith.addi %parallel_loop3A_314, %parallel_loop3A_315 : i32
        %parallel_loop3A_317 = arith.constant 16 : i32
        %parallel_loop3A_318 = arith.muli %parallel_loop3A_316, %parallel_loop3A_317 : i32
        %parallel_loop3A_319 = arith.constant 20224 : i32
        %parallel_loop3A_320 = arith.addi %parallel_loop3A_319, %parallel_loop3A_318 : i32
        %parallel_loop3A_321 = arith.index_cast %parallel_loop3A_320 : i32 to index
        %parallel_loop3A_322 = tpu.vector_load %arg9[%parallel_loop3A_321] {strides = array<i32>} : memref<40448xf32, #tpu.memory_space<vmem>>, vector<16xf32>,
        tpu.vector_store %arg9[%parallel_loop3A_321], %parallel_loop3A_312 {strides = array<i32>} : memref<40448xf32, #tpu.memory_space<vmem>>, vector<16xf32>,
        %parallel_loop3A_323 = arith.constant 3 : i32
        %parallel_loop3A_324 = arith.addi %mul3A_172, %parallel_loop3A_323 : i32
        %parallel_loop3A_325 = arith.constant 288 : i32
        %parallel_loop3A_326 = arith.muli %parallel_loop3A_324, %parallel_loop3A_325 : i32
        %parallel_loop3A_327 = vector.broadcast %parallel_loop3A_326 : i32 to vector<16xi32>
        %parallel_loop3A_328 = arith.addi %parallel_loop3A_223, %parallel_loop3A_327 : vector<16xi32>
        %parallel_loop3A_329 = tpu.vector_load_idx %arg5[%parallel_loop3A_328] : memref<18432xf32, #tpu.memory_space<vmem>>[vector<16xi32>], vector<16xf32>,
        %parallel_loop3A_330 = arith.constant 2 : i32
        %parallel_loop3A_331 = arith.muli %parallel_loop3A_330, %parallel_loop3A_216 : i32
        %parallel_loop3A_332 = arith.constant 16 : i32
        %parallel_loop3A_333 = arith.muli %parallel_loop3A_331, %parallel_loop3A_332 : i32
        %parallel_loop3A_334 = arith.constant 30336 : i32
        %parallel_loop3A_335 = arith.addi %parallel_loop3A_334, %parallel_loop3A_333 : i32
        %parallel_loop3A_336 = arith.index_cast %parallel_loop3A_335 : i32 to index
        %parallel_loop3A_337 = tpu.vector_load %arg9[%parallel_loop3A_336] {strides = array<i32>} : memref<40448xf32, #tpu.memory_space<vmem>>, vector<16xf32>,
        tpu.vector_store %arg9[%parallel_loop3A_336], %parallel_loop3A_329 {strides = array<i32>} : memref<40448xf32, #tpu.memory_space<vmem>>, vector<16xf32>,
        %parallel_loop3A_338 = arith.constant 3 : i32
        %parallel_loop3A_339 = arith.addi %mul3A_172, %parallel_loop3A_338 : i32
        %parallel_loop3A_340 = arith.constant 288 : i32
        %parallel_loop3A_341 = arith.muli %parallel_loop3A_339, %parallel_loop3A_340 : i32
        %parallel_loop3A_342 = vector.broadcast %parallel_loop3A_341 : i32 to vector<16xi32>
        %parallel_loop3A_343 = arith.addi %parallel_loop3A_226, %parallel_loop3A_342 : vector<16xi32>
        %parallel_loop3A_344 = tpu.vector_load_idx %arg5[%parallel_loop3A_343] : memref<18432xf32, #tpu.memory_space<vmem>>[vector<16xi32>], vector<16xf32>,
        %parallel_loop3A_345 = arith.constant 2 : i32
        %parallel_loop3A_346 = arith.muli %parallel_loop3A_345, %parallel_loop3A_216 : i32
        %parallel_loop3A_347 = arith.constant 1 : i32
        %parallel_loop3A_348 = arith.addi %parallel_loop3A_346, %parallel_loop3A_347 : i32
        %parallel_loop3A_349 = arith.constant 16 : i32
        %parallel_loop3A_350 = arith.muli %parallel_loop3A_348, %parallel_loop3A_349 : i32
        %parallel_loop3A_351 = arith.constant 30336 : i32
        %parallel_loop3A_352 = arith.addi %parallel_loop3A_351, %parallel_loop3A_350 : i32
        %parallel_loop3A_353 = arith.index_cast %parallel_loop3A_352 : i32 to index
        %parallel_loop3A_354 = tpu.vector_load %arg9[%parallel_loop3A_353] {strides = array<i32>} : memref<40448xf32, #tpu.memory_space<vmem>>, vector<16xf32>,
        tpu.vector_store %arg9[%parallel_loop3A_353], %parallel_loop3A_344 {strides = array<i32>} : memref<40448xf32, #tpu.memory_space<vmem>>, vector<16xf32>,
      } {sc.loop_unroll_factor = 8 : i64, sc.parallel_access}
      %get3A_176 = arith.constant 4992 : index
      %get3A_177 = tpu.vector_load %arg7[%get3A_176] {strides = array<i32>} : memref<10000xi32, #tpu.memory_space<vmem>>, vector<16xi32>,
      %add3A_178 = arith.constant 0 : i32
      %add3A_179 = arith.addi %mul3A_172, %add3A_178 : i32
      %mul3A_180 = arith.constant 288 : i32
      %mul3A_181 = arith.muli %add3A_179, %mul3A_180 : i32
      %add3A_182 = vector.broadcast %mul3A_181 : i32 to vector<16xi32>
      %add3A_183 = arith.addi %get3A_177, %add3A_182 : vector<16xi32>
      %gather3A_184 = tpu.vector_load_idx %arg5[%add3A_183] : memref<18432xf32, #tpu.memory_space<vmem>>[vector<16xi32>], vector<16xf32>,
      %swap3A_185 = arith.constant 9984 : index
      %swap3A_186 = tpu.vector_load %arg9[%swap3A_185] {strides = array<i32>} : memref<40448xf32, #tpu.memory_space<vmem>>, vector<16xf32>,
      tpu.vector_store %arg9[%swap3A_185], %gather3A_184 {strides = array<i32>} : memref<40448xf32, #tpu.memory_space<vmem>>, vector<16xf32>,
      %add3A_187 = arith.constant 1 : i32
      %add3A_188 = arith.addi %mul3A_172, %add3A_187 : i32
      %mul3A_189 = arith.constant 288 : i32
      %mul3A_190 = arith.muli %add3A_188, %mul3A_189 : i32
      %add3A_191 = vector.broadcast %mul3A_190 : i32 to vector<16xi32>
      %add3A_192 = arith.addi %get3A_177, %add3A_191 : vector<16xi32>
      %gather3A_193 = tpu.vector_load_idx %arg5[%add3A_192] : memref<18432xf32, #tpu.memory_space<vmem>>[vector<16xi32>], vector<16xf32>,
      %swap3A_194 = arith.constant 20096 : index
      %swap3A_195 = tpu.vector_load %arg9[%swap3A_194] {strides = array<i32>} : memref<40448xf32, #tpu.memory_space<vmem>>, vector<16xf32>,
      tpu.vector_store %arg9[%swap3A_194], %gather3A_193 {strides = array<i32>} : memref<40448xf32, #tpu.memory_space<vmem>>, vector<16xf32>,
      %add3A_196 = arith.constant 2 : i32
      %add3A_197 = arith.addi %mul3A_172, %add3A_196 : i32
      %mul3A_198 = arith.constant 288 : i32
      %mul3A_199 = arith.muli %add3A_197, %mul3A_198 : i32
      %add3A_200 = vector.broadcast %mul3A_199 : i32 to vector<16xi32>
      %add3A_201 = arith.addi %get3A_177, %add3A_200 : vector<16xi32>
      %gather3A_202 = tpu.vector_load_idx %arg5[%add3A_201] : memref<18432xf32, #tpu.memory_space<vmem>>[vector<16xi32>], vector<16xf32>,
      %swap3A_203 = arith.constant 30208 : index
      %swap3A_204 = tpu.vector_load %arg9[%swap3A_203] {strides = array<i32>} : memref<40448xf32, #tpu.memory_space<vmem>>, vector<16xf32>,
      tpu.vector_store %arg9[%swap3A_203], %gather3A_202 {strides = array<i32>} : memref<40448xf32, #tpu.memory_space<vmem>>, vector<16xf32>,
      %add3A_205 = arith.constant 3 : i32
      %add3A_206 = arith.addi %mul3A_172, %add3A_205 : i32
      %mul3A_207 = arith.constant 288 : i32
      %mul3A_208 = arith.muli %add3A_206, %mul3A_207 : i32
      %add3A_209 = vector.broadcast %mul3A_208 : i32 to vector<16xi32>
      %add3A_210 = arith.addi %get3A_177, %add3A_209 : vector<16xi32>
      %gather3A_211 = tpu.vector_load_idx %arg5[%add3A_210] : memref<18432xf32, #tpu.memory_space<vmem>>[vector<16xi32>], vector<16xf32>,
      %swap3A_212 = arith.constant 40320 : index
      %swap3A_213 = tpu.vector_load %arg9[%swap3A_212] {strides = array<i32>} : memref<40448xf32, #tpu.memory_space<vmem>>, vector<16xf32>,
      tpu.vector_store %arg9[%swap3A_212], %gather3A_211 {strides = array<i32>} : memref<40448xf32, #tpu.memory_space<vmem>>, vector<16xf32>,
      %dma_start3A_214 = tpu.memref_slice %arg4[%mul3A_160] : memref<41418752xf32, #tpu.memory_space<hbm>> -> memref<40448xf32, #tpu.memory_space<hbm>>
      %dma_start3A_215 = tpu.memref_slice %arg4[%mul3A_160] : memref<41418752xf32, #tpu.memory_space<hbm>> -> memref<40448xf32, #tpu.memory_space<hbm>>
      tpu.enqueue_dma source(%arg9 : memref<40448xf32, #tpu.memory_space<vmem>>) target(%dma_start3A_215 : memref<40448xf32, #tpu.memory_space<hbm>>) target_semaphore(%arg11 : memref<!tpu.dma_semaphore, #tpu.memory_space<semaphore_mem>>)
    }
    %scan3A_7 = arith.constant 16 : i32
    %mul3A_8 = arith.constant 64 : i32
    %mul3A_9 = arith.muli %mul3A_2, %mul3A_8 : i32
    %mul3A_10 = arith.constant 10112 : i32
    %mul3A_11 = arith.muli %mul3A_9, %mul3A_10 : i32
    %dma_wait3A = tpu.memref_slice %arg4[%mul3A_11] : memref<41418752xf32, #tpu.memory_space<hbm>> -> memref<40448xf32, #tpu.memory_space<hbm>>
    %dma_wait3A_12 = tpu.memref_slice %arg4[%mul3A_11] : memref<41418752xf32, #tpu.memory_space<hbm>> -> memref<40448xf32, #tpu.memory_space<hbm>>
    tpu.wait_dma2 semaphore(%arg10 : memref<!tpu.dma_semaphore, #tpu.memory_space<semaphore_mem>>) src(%arg8 : memref<40448xf32, #tpu.memory_space<vmem>>) dst(%dma_wait3A_12 : memref<40448xf32, #tpu.memory_space<hbm>>)
    %mul3A_13 = arith.constant 64 : i32
    %mul3A_14 = arith.muli %mul3A_2, %mul3A_13 : i32
    %mul3A_15 = arith.constant 10112 : i32
    %mul3A_16 = arith.muli %mul3A_14, %mul3A_15 : i32
    %dma_wait3A_17 = tpu.memref_slice %arg4[%mul3A_16] : memref<41418752xf32, #tpu.memory_space<hbm>> -> memref<40448xf32, #tpu.memory_space<hbm>>
    %dma_wait3A_18 = tpu.memref_slice %arg4[%mul3A_16] : memref<41418752xf32, #tpu.memory_space<hbm>> -> memref<40448xf32, #tpu.memory_space<hbm>>
    tpu.wait_dma2 semaphore(%arg11 : memref<!tpu.dma_semaphore, #tpu.memory_space<semaphore_mem>>) src(%arg9 : memref<40448xf32, #tpu.memory_space<vmem>>) dst(%dma_wait3A_18 : memref<40448xf32, #tpu.memory_space<hbm>>)
    return
  }
}

</mosaic_0001>

<sc_bundles>
// kernel: kernel.3.cloned.1.call-start
scs
__scs_entry_jumppad:
0x0: {  	(pc) =	sbr.rel $0x88, $3  }
0x1: {  	(tag) =	ssettag $0x0;
	lr =	simm.s32 $0x1  }
0x2: {  	[smem:$0x3F9F] =	sst lr;
	_ =	strace $0xD0000000  }
0x3: {  	_ = 	snop  }
0x4: {  	_ = 	snop  }
0x5: {  	_ = 	snop  }
0x6: {  	_ = 	snop  }
0x7: {  	_ = 	snop  }
__scs_overlays_trampoline_lowered:
0x8: {  	[smem:$0x3FAE] =	sst s0  }
0x9: {  	[smem:$0x3FAF] =	sst s1  }
0xa: {  	[smem:$0x3FB0] =	sst s2  }
0xb: {  	[smem:$0x3FB1] =	sst s3  }
0xc: {  	[smem:$0x3FB2] =	sst s4  }
0xd: {  	[smem:$0x3FB3] =	sst s5  }
0xe: {  	[smem:$0x3FB4] =	sst s6  }
0xf: {  	[smem:$0x3FB5] =	sst s7  }
0x10: {  	[smem:$0x3FB6] =	sst s8  }
0x11: {  	[smem:$0x3FB7] =	sst s9;
	s0 =	simm.s32 @!p0 $0x0  }
0x12: {  	s1 =	sld [smem:$0x3F9D];
	s0 =	simm.s32 @p0 $0x1  }
0x13: {  	[smem:$0x3FB8] =	sst s0;
	s0 =	simm.s32 @!p1 $0x0  }
0x14: {  	s2 =	sld [smem:$0x3F9C];
	s0 =	simm.s32 @p1 $0x1  }
0x15: {  	[smem:$0x3FB9] =	sst s0;
	s0 =	simm.s32 @!p2 $0x0  }
0x16: {  	s3 =	sld [smem:$0x3FDB];
	s0 =	simm.s32 @p2 $0x1  }
0x17: {  	s4 =	simm.s32 $0x1BF5;
	[smem:$0x3FBB] =	sst s0  }
0x18: {  	s0 =	sld [smem:$0x3F9E];
	_ =	swait.ge [sflag:s4], $0x0  }
0x19: {  	s7 =	sld [smem:$0x3F9F]  }
0x1a: {  	s8 =	sadd.s32 $0xFFFFE003, lr  }
0x1b: {  	s9 =	sadd.s32 $0xFFFFFEF7, lr;
	s5 =	simm.s32 $0xFFFFFFFF;
	p2 =	slt.u32 s8, $0xFFFFF086  }
0x1c: {  	p1 =	slt.u32 s9, $0xF7A;
	s5 =	simm.s32 @!p2 $0x0  }
0x1d: {  	s5 =	simm.s32 @p1 $0x1;
	p0 =	seq.s32 s7, s2  }
0x1e: {  	s7 =	smul.u32 @!p0 $0xF7A, s2;
	p2 =	seq.s32 @!p0 s5, $0x0  }
0x1f: {  	s9 =	smul.u32 $0xF7A, s1;
	s8 =	simm.s32 @!p0 $0x1BF5;
	p2 =	por !p2, p0  }
0x20: {  	[sflag:s8] =	ssyncset.s32 @!p0 $0xFFFFF086;
	s6 =	sadd.s32 @!p0 s3, s7;
	s7 =	simm.s32 @!p0 $0x108  }
0x21: {  	s3 =	sadd.s32 s3, s9;
	s6 =	sadd.s32 @!p0 $0x88, s6;
	s7 =	simm.s32 @p2 $0x1082  }
0x22: {  	[simem:s7], [sflag:s8] =	dma.local @!p0 [hbm:s6], $0xF7A  }
0x23: {  	s9 =	sor.u32 $0xD0000000, s2;
	s6 =	simm.s32 $0x108;
	_ =	swait.ge @!p0 [sflag:s8], $0x0  }
0x24: {  	s3 =	sadd.s32 $0x88, s3;
	s6 =	simm.s32 @!p1 $0x1082;
	[sflag:s4] =	ssyncset.s32 $0xFFFFF086  }
0x25: {  	[simem:s6], [sflag:s4] =	dma.local [hbm:s3], $0xF7A  }
0x26: {  	[smem:$0x3F9F] =	sst s1;
	(tag) =	ssettag s2;
	_ =	strace s9  }
0x27: {  	s1 =	sld [smem:$0x3FAF]  }
0x28: {  	s2 =	sld [smem:$0x3FB0]  }
0x29: {  	s4 =	sld [smem:$0x3FB2]  }
0x2a: {  	p0 =	seq.s32 s5, $0x0;
	s5 =	sld [smem:$0x3FB3]  }
0x2b: {  	s6 =	sld [smem:$0x3FB4]  }
0x2c: {  	s7 =	sld [smem:$0x3FB5]  }
0x2d: {  	s3 =	simm.s32 $0x108;
	s8 =	sld [smem:$0x3FB6]  }
0x2e: {  	s3 =	simm.s32 @!p0 $0x1082;
	s9 =	sld [smem:$0x3FB7]  }
0x2f: {  	lr =	sadd.s32 s0, s3;
	s0 =	sld [smem:$0x3FAE]  }
0x30: {  	s3 =	sld [smem:$0x3FB1]  }
0x31: {  	[smem:$0x3FBA] =	sst s10  }
0x32: {  	s10 =	sld [smem:$0x3FB8];
	_ =	sdelay $0x3  }
0x33: {  	p0 =	seq.s32 s10, $0x1;
	s10 =	sld [smem:$0x3FBA];
	_ =	sdelay $0x3  }
0x34: {  	[smem:$0x3FBA] =	sst s10  }
0x35: {  	s10 =	sld [smem:$0x3FB9];
	_ =	sdelay $0x3  }
0x36: {  	p1 =	seq.s32 s10, $0x1;
	s10 =	sld [smem:$0x3FBA];
	_ =	sdelay $0x3  }
0x37: {  	[smem:$0x3FBA] =	sst s10  }
0x38: {  	s10 =	sld [smem:$0x3FBB]  }
0x39: {  	_ = 	snop;
	(pc) =	sbr.ind lr, $3  }
0x3a: {  	_ = 	snop  }
0x3b: {  	_ = 	snop  }
0x3c: {  	p2 =	seq.s32 s10, $0x1;
	s10 =	sld [smem:$0x3FBA]  }
0x3d: {  	_ =	shalt  }
0x3e: {  	_ =	shalt  }
0x3f: {  	_ =	shalt  }
0x40: {  	_ =	shalt  }
0x41: {  	_ =	shalt  }
0x42: {  	_ =	shalt  }
0x43: {  	_ =	shalt  }
0x44: {  	_ =	shalt  }
0x45: {  	_ =	shalt  }
0x46: {  	_ =	shalt  }
0x47: {  	_ =	shalt  }
0x48: {  	_ =	shalt  }
0x49: {  	_ =	shalt  }
0x4a: {  	_ =	shalt  }
0x4b: {  	_ =	shalt  }
0x4c: {  	_ =	shalt  }
0x4d: {  	_ =	shalt  }
0x4e: {  	_ =	shalt  }
0x4f: {  	_ =	shalt  }
0x50: {  	_ =	shalt  }
0x51: {  	_ =	shalt  }
0x52: {  	_ =	shalt  }
0x53: {  	_ =	shalt  }
0x54: {  	_ =	shalt  }
0x55: {  	_ =	shalt  }
0x56: {  	_ =	shalt  }
0x57: {  	_ =	shalt  }
0x58: {  	_ =	shalt  }
0x59: {  	_ =	shalt  }
0x5a: {  	_ =	shalt  }
0x5b: {  	_ =	shalt  }
0x5c: {  	_ =	shalt  }
0x5d: {  	_ =	shalt  }
0x5e: {  	_ =	shalt  }
0x5f: {  	_ =	shalt  }
0x60: {  	_ =	shalt  }
0x61: {  	_ =	shalt  }
0x62: {  	_ =	shalt  }
0x63: {  	_ =	shalt  }
0x64: {  	_ =	shalt  }
0x65: {  	_ =	shalt  }
0x66: {  	_ =	shalt  }
0x67: {  	_ =	shalt  }
0x68: {  	_ =	shalt  }
0x69: {  	_ =	shalt  }
0x6a: {  	_ =	shalt  }
0x6b: {  	_ =	shalt  }
0x6c: {  	_ =	shalt  }
0x6d: {  	_ =	shalt  }
0x6e: {  	_ =	shalt  }
0x6f: {  	_ =	shalt  }
0x70: {  	_ =	shalt  }
0x71: {  	_ =	shalt  }
0x72: {  	_ =	shalt  }
0x73: {  	_ =	shalt  }
0x74: {  	_ =	shalt  }
0x75: {  	_ =	shalt  }
0x76: {  	_ =	shalt  }
0x77: {  	_ =	shalt  }
0x78: {  	_ =	shalt  }
0x79: {  	_ =	shalt  }
0x7a: {  	_ =	shalt  }
0x7b: {  	_ =	shalt  }
0x7c: {  	_ =	shalt  }
0x7d: {  	_ =	shalt  }
0x7e: {  	_ =	shalt  }
0x7f: {  	_ =	shalt  }
0x80: {  	_ =	shalt  }
0x81: {  	_ =	shalt  }
0x82: {  	_ =	shalt  }
0x83: {  	_ =	shalt  }
0x84: {  	_ =	shalt  }
0x85: {  	_ =	shalt  }
0x86: {  	_ =	shalt  }
0x87: {  	_ =	shalt  }
.Lfunc_end0:
.L_simem_size_0:
called_computation_lowered:
.L_overlay_start_0:
0x88: {  	s2 =	sld [smem:$0x3FD9]  }
0x89: {  	s3 =	sld [smem:$0x3FFE];
	_ =	sdelay $0x1  }
0x8a: {  	s1 =	srdreg.scid  }
0x8b: {  	s0 =	sand.u32 $0x1, s1  }
0x8c: {  	s17 =	sshll.u32 s0, $0xA;
	s2 =	sadd.s32 s3, s2  }
0x8d: {  	s2 =	sadd.s32 s2, s17  }
0x8e: {  	[smem:$0x3FC6] =	sst s2  }
0x8f: {  	_ = 	snop  }
0x90: {  	s2 =	sld [smem:$0x3FD0];
	(tm) =	ssettm $0x1  }
0x91: {  	s18 =	sld [smem:$0x3FFB];
	_ =	sdelay $0x3  }
0x92: {  	_ =	strace s18  }
0x93: {  	s3 =	sld [smem:$0x3FFC];
	_ =	sdelay $0x3  }
0x94: {  	_ =	strace s3  }
0x95: {  	s3 =	sld [smem:$0x3FFD];
	_ =	sdelay $0x3  }
0x96: {  	_ =	strace s3  }
0x97: {  	_ =	strace $0x8FFFFFFF  }
0x98: {  	s19 =	sld [smem:$0x3FDB];
	_ =	sdelay $0x1  }
0x99: {  	s4 =	simm.s32 $_scs_section_size  }
0x9a: {  	s5 =	simm.s32 $_size__tile_overlayer_lowered;
	s6 =	simm.s32 $_tile_overlayer_lowered  }
0x9b: {  	s22 =	simm.s32 $0x1BFF;
	s21 =	sshll.u32 s6, $0x1;
	s3 =	sadd.s32 s4, s19  }
0x9c: {  	s7 =	simm.s32 $0x0;
	s20 =	sshll.u32 s5, $0x1;
	s5 =	sadd.s32 s21, s3  }
0x9d: {  	[timem:s7], [sflag:s22] =	dma.local [hbm:s5], s20  }
0x9e: {  	_ =	swait.ge [sflag:s22], s20  }
0x9f: {  	s4 =	ssub.s32 $0x0, s20;
	[sflag:s22] =	ssyncset.done $0x0  }
0xa0: {  	[sflag:s22] =	ssyncadd.s32 s4;
	_ =	sdelay $0x1  }
0xa1: {  	s23 =	simm.s32 $0x1B8B  }
0xa2: {  	_ =	swait.ge [sflag:s23], $0x1  }
0xa3: {  	[sflag:s23] =	ssyncset.done $0x0  }
0xa4: {  	s25 =	simm.s32 $0x1B8E;
	s24 =	sld [smem:$0x3FFE];
	[sflag:s23] =	ssyncadd.s32 $0xFFFFFFFF  }
0xa5: {  	s26 =	simm.s32 $execute0_lowered;
	[smem:$0x3FD2] =	sst s25  }
0xa6: {  	s5 =	sshll.u32 s26, $0x1;
	_ =	strace $0x80000046;
	[dreg:$0x1] =	wrdreg $0xFFFFFFFF  }
0xa7: {  	s28 =	simm.s32 $_size_execute0_lowered;
	s3 =	sadd.s32 s3, s5;
	[dreg:$0x0] =	wrdreg $0x0  }
0xa8: {  	s5 =	sshll.u32 s28, $0x1;
	[dreg:$0x2] =	wrdreg s3  }
0xa9: {  	[dreg:$0x3] =	wrdreg s5  }
0xaa: {  	[dreg:$0x4] =	wrdreg $0xC0  }
0xab: {  	_ =	task [dreg:s7], $0x5FFFF  }
0xac: {  	[dreg:$0x1] =	wrdreg $0xFFFFFFFF  }
0xad: {  	[dreg:$0x0] =	wrdreg $0x60  }
0xae: {  	[dreg:$0x2] =	wrdreg s24  }
0xaf: {  	[dreg:$0x3] =	wrdreg s2  }
0xb0: {  	[dreg:$0x4] =	wrdreg $0x9  }
0xb1: {  	_ =	task.clear_ibuf [dreg:s7], $0x5FFFF;
	_ =	strace $0x90000046  }
0xb2: {  	s29 =	simm.s32 $0x9;
	_ =	strace $0x80000048  }
0xb3: {  	_ =	swait.ge [sflag:s29], $0x1  }
0xb4: {  	[sflag:s29] =	ssyncadd.s32 $0xFFFFFFFF  }
0xb5: {  	_ =	strace $0x90000048  }
0xb6: {  	_ =	sfence  }
0xb7: {  	s30 =	sld [smem:$0x0];
	_ =	sdelay $0x2  }
0xb8: {  	s31 =	sshll.u32 s1, $0xD;
	s1 =	sshrl.u32 s1, $0x2  }
0xb9: {  	s3 =	sand.u32 $0x4000, s31;
	s1 =	sadd.s32 s1, s30  }
0xba: {  	s0 =	sor.u32 s3, s0;
	s1 =	sshll.u32 s1, $0x11  }
0xbb: {  	s0 =	sor.u32 s1, s0  }
0xbc: {  	s0 =	sadd.s32 $0x8F2B, s0  }
0xbd: {  	[sflag:s0] =	ssyncadd.remote.s32 $0x1  }
0xbe: {  	_ =	sfence.sel $0xFFFF  }
0xbf: {  	[dreg:$0x0] =	wrdreg $0xFFFFFFFF;
	(pc) =	sbr.abs _section_cstart, $3  }
0xc0: {  	[dreg:$0x1] =	wrdreg $0xFFFFFFFF  }
0xc1: {  	_ =	task.clear_ibuf [dreg:s7], $0x2FFFF;
	_ =	strace $0x9FFFFFFF  }
0xc2: {  	(tm) =	ssettm $0x7FFFFFFF  }
0xc3: {  	_ =	shalt  }
tec
execute0_lowered:
.L_overlay_start_1:
0x0: {  	(tag) =	ssettag $0x1  }
0x1: {  	s3 =	rddreg [dreg:$0x0]  }
0x2: {  	s1 =	rddreg [dreg:$0x1]  }
0x3: {  	s0 =	rddreg [dreg:$0x2];
	s2 =	simm.s32 $0x0  }
0x4: {  	s4 =	srdreg.scid;
	s9 =	simm.s32 $0x4800;
	s10 =	simm.s32 $0x9620  }
0x5: {  	s11 =	simm.s32 $0x13420;
	s12 =	simm.s32 $0x1;
	s13 =	simm.s32 $0x2  }
0x6: {  	s14 =	simm.s32 $0x0;
	[smem:$0x7FF] =	sst s2;
	s6 =	sand.u32 $0x1, s4  }
0x7: {  	s4 =	sadd.s32 $0xE00, s3;
	s5 =	sadd.s32 $0x400, s3;
	s7 =	ssub.s32 $0x2, s6  }
0x8: {  	s3 =	stileid.u32;
	_ =	strace $0x80000047;
	s8 =	sshrl.u32 s7, $0x1  }
0x9: {  	s31 =	sshll.u32 s3, $0x2;
	s6 =	sshll.u32 s6, $0x1;
	s7 =	ssub.s32 s7, s8  }
0xa: {  	s6 =	sor.u32 s6, s31;
	s8 =	simm.s32 $0x3;
	s7 =	smax.u32 s7, $0x1  }
.LBB2_1:
0xb: {  	[tilespmem:s2], [sflag:$0x3] =	stream.linear.gather [hbm4b:s5+s2], $0x4800, $0x38;
	[tilespmem:$0x1D220] =	vst v63  }
0xc: {  	_ =	swait.ge [sflag:s8], $0x4800  }
0xd: {  	[sflag:s8] =	ssyncset.done $0x0  }
0xe: {  	s15 =	simm.s32 $0x0;
	[sflag:s8] =	ssyncadd.s32 $0xFFFFB800  }
.LBB2_2:
0xf: {  	s16 =	sshll.u32 s15, $0x1  }
0x10: {  	s16 =	sand.u32 $0xE, s16  }
0x11: {  	p0 =	sne.s32 s16, $0x0  }
.Ltmp0:
0x12: {  	_ = 	snop;
	(pc) =	sbr.rel @p0 .LBB2_8-.Ltmp0, $3  }
0x13: {  	_ =	sdelay $0x1  }
0x14: {  	s17 =	sshrl.u32 s15, $0x3  }
0x15: {  	s17 =	sadd.s32 s6, s17  }
0x16: {  	s18 =	smul.u32 $0x4E2, s17;
	_ =	sdelay $0x1  }
0x17: {  	s18 =	sadd.s32 s4, s18  }
0x18: {  	[tilespmem:s9], [sflag:$0x3] =	stream.linear.gather [hbm4b:s18+s2], $0x2710, $0x38;
	[tilespmem:$0x1D220] =	vst v63  }
0x19: {  	_ =	swait.ge [sflag:s8], $0x2710  }
0x1a: {  	[sflag:s8] =	ssyncset.done $0x0  }
0x1b: {  	s31 =	simm.s32 $0x4850;
	[sflag:s8] =	ssyncadd.s32 $0xFFFFD8F0  }
0x1c: {  	v0 =	vld [tilespmem:s31+$0x40]  }
0x1d: {  	v1 =	vld [tilespmem:s31+$0x30]  }
0x1e: {  	v2 =	vld [tilespmem:s31+$0xFFFFFFC0]  }
0x1f: {  	v3 =	vld [tilespmem:s31+$0xFFFFFFE0]  }
0x20: {  	v4 =	vld [tilespmem:s31+$0x0]  }
0x21: {  	v5 =	vld [tilespmem:s31+$0x20]  }
0x22: {  	v6 =	vld [tilespmem:s31+$0xFFFFFFD0]  }
0x23: {  	v7 =	vld [tilespmem:s31+$0xFFFFFFF0]  }
0x24: {  	v8 =	vld [tilespmem:s31+$0x10]  }
0x25: {  	v9 =	vld [tilespmem:s31+$0xFFFFFFB0];
	v0 =	vmul.f32 $2.880000000e+02, v0  }
0x26: {  	v1 =	vmul.f32 $2.880000000e+02, v1;
	v2 =	vmul.f32 $2.880000000e+02, v2  }
0x27: {  	v3 =	vmul.f32 $2.880000000e+02, v3;
	v4 =	vmul.f32 $2.880000000e+02, v4  }
0x28: {  	v5 =	vmul.f32 $2.880000000e+02, v5;
	v6 =	vmul.f32 $2.880000000e+02, v6  }
0x29: {  	v7 =	vmul.f32 $2.880000000e+02, v7;
	v8 =	vmul.f32 $2.880000000e+02, v8  }
0x2a: {  	v9 =	vmul.f32 $2.880000000e+02, v9;
	v0 =	vtrunc.f32 v0  }
0x2b: {  	v1 =	vtrunc.f32 v1;
	v2 =	vtrunc.f32 v2  }
0x2c: {  	v3 =	vtrunc.f32 v3;
	v4 =	vtrunc.f32 v4  }
0x2d: {  	v0 =	vcvt.f32.s32 v0;
	v1 =	vcvt.f32.s32 v1  }
0x2e: {  	v10 =	vcvt.f32.s32 v2;
	v2 =	vtrunc.f32 v5  }
0x2f: {  	v3 =	vcvt.f32.s32 v3;
	v12 =	vcvt.f32.s32 v4  }
0x30: {  	v4 =	vtrunc.f32 v7;
	v63 =	vcvt.f32.s32 v2  }
0x31: {  	v2 =	vtrunc.f32 v6;
	v6 =	vtrunc.f32 v8;
	vm0 =	vgt.s32 v0, $0x0  }
0x32: {  	vm1 =	vgt.s32 v1, $0x0;
	vm2 =	vgt.s32 v12, $0x0;
	v0 =	vnsel vm0, $0x0, v0  }
0x33: {  	v2 =	vcvt.f32.s32 v2;
	v1 =	vnsel vm1, $0x0, v1;
	v0 =	vmin.u32 v0, $0x11F  }
0x34: {  	vm0 =	vgt.s32 v10, $0x0;
	v1 =	vmin.u32 v1, $0x11F;
	v0 =	vshll.u32 v0, $0x10  }
0x35: {  	vm1 =	vgt.s32 v3, $0x0;
	v11 =	vor.u32 v1, v0;
	v0 =	vtrunc.f32 v9  }
0x36: {  	vm3 =	vgt.s32 v63, $0x0;
	v7 =	vnsel vm2, $0x0, v12;
	v1 =	vcvt.f32.s32 v0  }
0x37: {  	s19 =	simm.s32 $0x6F30;
	s21 =	simm.s32 $0x0;
	v5 =	vnsel vm1, $0x0, v3;
	v3 =	vcvt.f32.s32 v6;
	v0 =	vcvt.f32.s32 v4  }
0x38: {  	s22 =	simm.s32 $0x48F0;
	s20 =	simm.s32 $0x6F30;
	s18 =	simm.s32 $0x6ED0;
	v6 =	vnsel vm3, $0x0, v63;
	v4 =	vnsel vm0, $0x0, v10;
	[tilespmem:s19+$0x20] =	vst v11;
	vm0 =	vgt.s32 v1, $0x0  }
.LBB2_4:
0x39: {  	v8 =	vld [tilespmem:s22+$0x40];
	s21 =	sadd.s32 $0x5, s21;
	vm1 =	vgt.s32 v2, $0x0;
	vm2 =	vgt.s32 v0, $0x0;
	vm3 =	vgt.s32 v3, $0x0  }
0x3a: {  	v4 =	vmin.u32 v4, $0x11F;
	v5 =	vmin.u32 v5, $0x11F;
	v7 =	vmin.u32 v7, $0x11F;
	v9 =	vld [tilespmem:s22+$0x30];
	p0 =	slt.u32 s21, $0x131  }
0x3b: {  	v1 =	vnsel vm0, $0x0, v1;
	v6 =	vmin.u32 v6, $0x11F;
	v2 =	vnsel vm1, $0x0, v2;
	v10 =	vld [tilespmem:s22+$0xFFFFFFC0]  }
0x3c: {  	v4 =	vshll.u32 v4, $0x10;
	v0 =	vnsel vm2, $0x0, v0;
	v3 =	vnsel vm3, $0x0, v3;
	v11 =	vld [tilespmem:s22+$0xFFFFFFE0]  }
0x3d: {  	v5 =	vshll.u32 v5, $0x10;
	v7 =	vshll.u32 v7, $0x10;
	v6 =	vshll.u32 v6, $0x10;
	v12 =	vld [tilespmem:s22+$0x0]  }
0x3e: {  	v1 =	vmin.u32 v1, $0x11F;
	v2 =	vmin.u32 v2, $0x11F;
	v13 =	vld [tilespmem:s22+$0x20];
	v8 =	vmul.f32 $2.880000000e+02, v8  }
0x3f: {  	v0 =	vmin.u32 v0, $0x11F;
	v3 =	vmin.u32 v3, $0x11F;
	v14 =	vld [tilespmem:s22+$0xFFFFFFD0];
	v9 =	vmul.f32 $2.880000000e+02, v9  }
0x40: {  	v1 =	vor.u32 v1, v4;
	v10 =	vmul.f32 $2.880000000e+02, v10;
	v15 =	vld [tilespmem:s22+$0xFFFFFFF0];
	v8 =	vtrunc.f32 v8  }
0x41: {  	v4 =	vld [tilespmem:s22+$0x10];
	v9 =	vtrunc.f32 v9;
	v8 =	vcvt.f32.s32 v8;
	[tilespmem:s19+$0xFFFFFFE0] =	vst v1;
	v1 =	vor.u32 v2, v5  }
0x42: {  	v0 =	vor.u32 v0, v7;
	v5 =	vmul.f32 $2.880000000e+02, v11;
	v2 =	vld [tilespmem:s22+$0xFFFFFFB0];
	v9 =	vcvt.f32.s32 v9;
	[tilespmem:s19+$0xFFFFFFF0] =	vst v1  }
0x43: {  	v1 =	vmul.f32 $2.880000000e+02, v12;
	v7 =	vmul.f32 $2.880000000e+02, v13;
	vm0 =	vgt.s32 v8, $0x0;
	[tilespmem:s19+$0x0] =	vst v0  }
0x44: {  	v0 =	vmul.f32 $2.880000000e+02, v14;
	vm1 =	vgt.s32 v9, $0x0;
	v8 =	vnsel vm0, $0x0, v8  }
0x45: {  	v11 =	vmul.f32 $2.880000000e+02, v15;
	v9 =	vnsel vm1, $0x0, v9;
	v8 =	vmin.u32 v8, $0x11F  }
0x46: {  	v4 =	vmul.f32 $2.880000000e+02, v4;
	v9 =	vmin.u32 v9, $0x11F;
	v8 =	vshll.u32 v8, $0x10  }
0x47: {  	v10 =	vtrunc.f32 v10;
	s19 =	sadd.s32 $0x50, s19;
	v2 =	vmul.f32 $2.880000000e+02, v2;
	v8 =	vor.u32 v9, v8  }
0x48: {  	s23 =	simm.s32 $0x0;
	v3 =	vor.u32 v3, v6;
	v5 =	vtrunc.f32 v5;
	v1 =	vtrunc.f32 v1;
	[tilespmem:s19+$0x20] =	vst v8  }
0x49: {  	v6 =	vcvt.f32.s32 v10;
	v7 =	vtrunc.f32 v7;
	[tilespmem:s20+$0x10] =	vst v3;
	s20 =	smov.u32 s19  }
0x4a: {  	v8 =	vcvt.f32.s32 v1;
	v3 =	vcvt.f32.s32 v5  }
0x4b: {  	vm0 =	vgt.s32 v6, $0x0;
	v9 =	vcvt.f32.s32 v7;
	v1 =	vtrunc.f32 v2  }
.Ltmp1:
0x4c: {  	v0 =	vtrunc.f32 v0;
	v5 =	vtrunc.f32 v11;
	vm1 =	vgt.s32 v3, $0x0;
	(pc) =	sbr.rel @p0 .LBB2_4-.Ltmp1, $4  }
0x4d: {  	v7 =	vtrunc.f32 v4;
	v1 =	vcvt.f32.s32 v1;
	vm2 =	vgt.s32 v8, $0x0  }
0x4e: {  	v2 =	vcvt.f32.s32 v0;
	vm3 =	vgt.s32 v9, $0x0;
	v0 =	vcvt.f32.s32 v5  }
0x4f: {  	v4 =	vnsel vm0, $0x0, v6;
	v5 =	vnsel vm1, $0x0, v3;
	v3 =	vcvt.f32.s32 v7  }
0x50: {  	s22 =	sadd.s32 $0xA0, s22;
	v6 =	vnsel vm3, $0x0, v9;
	vm0 =	vgt.s32 v1, $0x0;
	v7 =	vnsel vm2, $0x0, v8  }
0x51: {  	vm1 =	vgt.s32 v2, $0x0  }
0x52: {  	vm2 =	vgt.s32 v0, $0x0;
	vm3 =	vgt.s32 v3, $0x0;
	v4 =	vmin.u32 v4, $0x11F  }
0x53: {  	v5 =	vmin.u32 v5, $0x11F;
	v7 =	vmin.u32 v7, $0x11F;
	v1 =	vnsel vm0, $0x0, v1  }
0x54: {  	v6 =	vmin.u32 v6, $0x11F;
	v2 =	vnsel vm1, $0x0, v2;
	v4 =	vshll.u32 v4, $0x10  }
0x55: {  	v0 =	vnsel vm2, $0x0, v0;
	v3 =	vnsel vm3, $0x0, v3;
	v1 =	vmin.u32 v1, $0x11F  }
0x56: {  	v5 =	vshll.u32 v5, $0x10;
	v2 =	vmin.u32 v2, $0x11F;
	v1 =	vor.u32 v1, v4  }
0x57: {  	v60 =	vshll.u32 v7, $0x10;
	v0 =	vmin.u32 v0, $0x11F;
	[tilespmem:s19+$0xFFFFFFE0] =	vst v1;
	v61 =	vor.u32 v2, v5  }
0x58: {  	v62 =	vshll.u32 v6, $0x10;
	v3 =	vmin.u32 v3, $0x11F;
	v0 =	vor.u32 v0, v60;
	[tilespmem:s19+$0xFFFFFFF0] =	vst v61  }
0x59: {  	v63 =	vor.u32 v3, v62;
	[tilespmem:s19+$0x0] =	vst v0  }
0x5a: {  	[tilespmem:s20+$0x10] =	vst v63  }
.LBB2_6:
0x5b: {  	v0 =	vld [tilespmem:s18+$0x0]  }
0x5c: {  	v1 =	vld [tilespmem:s18+$0xFFFFFFF0];
	_ =	sdelay $0x3  }
0x5d: {  	v0 =	vmul.f32 $2.880000000e+02, v0  }
0x5e: {  	v1 =	vmul.f32 $2.880000000e+02, v1  }
0x5f: {  	v0 =	vtrunc.f32 v0  }
0x60: {  	v1 =	vtrunc.f32 v1;
	v0 =	vcvt.f32.s32 v0  }
0x61: {  	v1 =	vcvt.f32.s32 v1  }
0x62: {  	p0 =	sne.s32 s23, $0x40;
	vm0 =	vgt.s32 v0, $0x0  }
.Ltmp2:
0x63: {  	vm15 =	vgt.s32 v1, $0x0;
	v0 =	vnsel vm0, $0x0, v0;
	(pc) =	sbr.rel @p0 .LBB2_6-.Ltmp2, $4  }
0x64: {  	v1 =	vnsel vm15, $0x0, v1;
	v0 =	vmin.u32 v0, $0x11F  }
0x65: {  	v1 =	vmin.u32 v1, $0x11F;
	v0 =	vshll.u32 v0, $0x10  }
0x66: {  	s19 =	sshra.s32 s23, $0x2;
	v0 =	vor.u32 v1, v0  }
0x67: {  	s18 =	sadd.s32 $0x20, s18;
	s23 =	sadd.s32 $0x40, s23;
	[tilespmem:s19+$0x8270] =	vst v0  }
0x68: {  	v0 =	vld [tilespmem:$0x6F00];
	_ =	sdelay $0x4  }
0x69: {  	v0 =	vmul.f32 $2.880000000e+02, v0;
	_ =	sdelay $0x1  }
0x6a: {  	v0 =	vtrunc.f32 v0  }
0x6b: {  	v0 =	vcvt.f32.s32 v0;
	_ =	sdelay $0x1  }
0x6c: {  	vm0 =	vgt.s32 v0, $0x0  }
0x6d: {  	v0 =	vnsel vm0, $0x0, v0  }
0x6e: {  	v0 =	vmin.u32 v0, $0x11F  }
0x6f: {  	[tilespmem:$0x8290] =	vst v0  }
.LBB2_8:
0x70: {  	p0 =	seq.s32 s15, $0x0  }
0x71: {  	s18 =	simm.s32 @!p0 $0x1  }
0x72: {  	_ =	swait.ge @!p0 [sflag:s18], $0x9E00  }
0x73: {  	[sflag:s18] =	ssyncset.done @!p0 $0x0  }
0x74: {  	s28 =	simm.s32 $0x6F50;
	[sflag:s18] =	ssyncadd.s32 @!p0 $0xFFFF6200  }
0x75: {  	v2 =	vld [tilespmem:s28+$0x30]  }
0x76: {  	v3 =	vld [tilespmem:s28+$0xFFFFFFD0]  }
0x77: {  	v17 =	vld [tilespmem:s28+$0xFFFFFFE0]  }
0x78: {  	v19 =	vld [tilespmem:s28+$0x0]  }
0x79: {  	s19 =	smul.u32 $0x480, s16;
	v15 =	vld [tilespmem:s28+$0xFFFFFFC0];
	_ =	sdelay $0x1  }
0x7a: {  	v0 =	vmov s19;
	v27 =	vand.u32 $0xFFFF, v2  }
0x7b: {  	v18 =	vld [tilespmem:s28+$0xFFFFFFF0];
	v26 =	vand.u32 $0x7, v2;
	v12 =	vand.u32 $0xFFFF, v3;
	v8 =	vand.u32 $0x7, v3  }
0x7c: {  	v11 =	vand.u32 $0xFFFF, v17;
	v5 =	vand.u32 $0xFFFF, v19;
	v1 =	vadd.s32 v0, v27  }
0x7d: {  	v24 =	vand.u32 $0xFFFF, v15;
	v21 =	vand.u32 $0x7, v17;
	v4 =	vand.u32 $0x1FFF8, v1  }
0x7e: {  	v6 =	vadd.s32 v0, v12;
	v9 =	vadd.s32 v0, v11;
	v7 =	vor.u32 v26, v4  }
0x7f: {  	v14 =	vadd.s32 v0, v5;
	v13 =	vand.u32 $0x1FFF8, v6;
	v9 =	vand.u32 $0x1FFF8, v9  }
0x80: {  	v4 =	vand.u32 $0xFFFF, v18;
	v31 =	vor.u32 v8, v13;
	v13 =	vand.u32 $0x1FFF8, v14  }
0x81: {  	v20 =	vld [tilespmem:s28+$0x10];
	v32 =	vor.u32 v21, v9;
	v9 =	vand.u32 $0x7, v19;
	v10 =	vadd.s32 v0, v4  }
0x82: {  	v33 =	vor.u32 v9, v13;
	v30 =	vand.u32 $0x1FFF8, v10;
	v10 =	vand.u32 $0x7, v18  }
0x83: {  	v25 =	vshra.s32 v2, $0x10;
	v16 =	vadd.s32 v0, v24;
	v30 =	vor.u32 v10, v30;
	v28 =	vld.idx.msk [tilespmem:v7+s2+$0x0], $0xffff  }
0x84: {  	v22 =	vld [tilespmem:s28+$0x20];
	v2 =	vand.u32 $0x1FFF8, v16;
	v16 =	vadd.s32 v0, v25  }
0x85: {  	v23 =	vand.u32 $0x7, v15;
	v17 =	vshra.s32 v17, $0x10  }
0x86: {  	s20 =	sadd.s32 $0x120, s19;
	v63 =	vadd.s32 v0, v17;
	v6 =	vand.u32 $0xFFFF, v20;
	v2 =	vor.u32 v23, v2;
	v32 =	vld.idx.msk [tilespmem:v32+s2+$0x0], $0xffff  }
0x87: {  	s18 =	simm.s32 $0x10D90;
	v1 =	vmov s20;
	v29 =	vadd.s32 v0, v6;
	v19 =	vshra.s32 v19, $0x10;
	v33 =	vld.idx.msk [tilespmem:v33+s2+$0x0], $0xffff  }
0x88: {  	v14 =	vadd.s32 v1, v27;
	v39 =	vadd.s32 v0, v19;
	v30 =	vld.idx.msk [tilespmem:v30+s2+$0x0], $0xffff;
	[tilespmem:s18+$0xFFFF8970] =	vst v28  }
0x89: {  	v14 =	vand.u32 $0x1FFF8, v14;
	v13 =	vand.u32 $0x7, v20;
	v7 =	vand.u32 $0xFFFF, v22;
	v34 =	vld.idx.msk [tilespmem:v16+s2+$0x0], $0xffff  }
0x8a: {  	v28 =	vadd.s32 v0, v7;
	v16 =	vand.u32 $0x1FFF8, v29;
	v29 =	vor.u32 v26, v14  }
0x8b: {  	v2 =	vld.idx.msk [tilespmem:v2+s2+$0x0], $0xffff;
	[tilespmem:s18+$0xFFFF88D0] =	vst v32;
	v28 =	vand.u32 $0x1FFF8, v28;
	v14 =	vand.u32 $0x7, v22;
	v35 =	vor.u32 v13, v16  }
0x8c: {  	v15 =	vshra.s32 v15, $0x10;
	v31 =	vld.idx.msk [tilespmem:v31+s2+$0x0], $0xffff;
	[tilespmem:s18+$0xFFFF8910] =	vst v33;
	v28 =	vor.u32 v14, v28  }
0x8d: {  	v16 =	vshra.s32 v3, $0x10;
	v3 =	vadd.s32 v0, v15;
	v51 =	vld.idx.msk [tilespmem:v39+s2+$0x0], $0xffff;
	[tilespmem:s18+$0xFFFF88F0] =	vst v30  }
0x8e: {  	v18 =	vshra.s32 v18, $0x10;
	v36 =	vadd.s32 v0, v16;
	v30 =	vld.idx.msk [tilespmem:v63+s2+$0x0], $0xffff;
	[tilespmem:s18+$0xFFFF8980] =	vst v34  }
0x8f: {  	v37 =	vadd.s32 v0, v18;
	v29 =	vld.idx.msk [tilespmem:v29+s2+$0x0], $0xffff  }
0x90: {  	v38 =	vadd.s32 v1, v25;
	v20 =	vshra.s32 v20, $0x10;
	[tilespmem:s18+$0xFFFF8890] =	vst v2;
	v35 =	vld.idx.msk [tilespmem:v35+s2+$0x0], $0xffff  }
0x91: {  	v40 =	vadd.s32 v1, v24;
	[tilespmem:s18+$0xFFFF88B0] =	vst v31;
	v31 =	vadd.s32 v0, v20;
	v22 =	vshra.s32 v22, $0x10;
	v28 =	vld.idx.msk [tilespmem:v28+s2+$0x0], $0xffff  }
0x92: {  	v45 =	vadd.s32 v1, v12;
	v40 =	vand.u32 $0x1FFF8, v40;
	v41 =	vadd.s32 v0, v22;
	v3 =	vld.idx.msk [tilespmem:v3+s2+$0x0], $0xffff  }
0x93: {  	v46 =	vadd.s32 v1, v11;
	v40 =	vor.u32 v23, v40;
	v44 =	vld.idx.msk [tilespmem:v36+s2+$0x0], $0xffff;
	v36 =	vand.u32 $0x1FFF8, v45  }
0x94: {  	s29 =	sadd.s32 $0x240, s19;
	v52 =	vadd.s32 v1, v5;
	v37 =	vld.idx.msk [tilespmem:v37+s2+$0x0], $0xffff;
	v47 =	vor.u32 v8, v36;
	[tilespmem:s18+$0xFFFFB0F0] =	vst v29;
	v29 =	vand.u32 $0x1FFF8, v46  }
0x95: {  	v2 =	vmov s29;
	v39 =	vand.u32 $0x1FFF8, v52;
	[tilespmem:s18+$0xFFFF8930] =	vst v35;
	v48 =	vld.idx.msk [tilespmem:v38+s2+$0x0], $0xffff;
	v29 =	vor.u32 v21, v29  }
0x96: {  	v49 =	vadd.s32 v2, v27;
	v39 =	vor.u32 v9, v39;
	[tilespmem:s18+$0xFFFF8950] =	vst v28;
	v28 =	vld.idx.msk [tilespmem:v31+s2+$0x0], $0xffff  }
0x97: {  	v50 =	vadd.s32 v1, v4;
	v36 =	vand.u32 $0x1FFF8, v49;
	[tilespmem:s18+$0xFFFF88A0] =	vst v3;
	v3 =	vld.idx.msk [tilespmem:v41+s2+$0x0], $0xffff  }
0x98: {  	v53 =	vadd.s32 v1, v6;
	v38 =	vand.u32 $0x1FFF8, v50;
	v31 =	vor.u32 v26, v36;
	[tilespmem:s18+$0xFFFF88C0] =	vst v44;
	v55 =	vld.idx.msk [tilespmem:v40+s2+$0x0], $0xffff  }
0x99: {  	v54 =	vadd.s32 v1, v7;
	[tilespmem:s18+$0xFFFF88E0] =	vst v30;
	v36 =	vand.u32 $0x1FFF8, v53;
	v38 =	vor.u32 v10, v38;
	v30 =	vld.idx.msk [tilespmem:v47+s2+$0x0], $0xffff  }
0x9a: {  	v56 =	vand.u32 $0x1FFF8, v54;
	[tilespmem:s18+$0xFFFF8920] =	vst v51;
	v36 =	vor.u32 v13, v36;
	v29 =	vld.idx.msk [tilespmem:v29+s2+$0x0], $0xffff  }
0x9b: {  	s30 =	simm.s32 $0x6FD0;
	v57 =	vor.u32 v14, v56;
	v50 =	vadd.s32 v2, v11;
	[tilespmem:s18+$0xFFFF8940] =	vst v28;
	v28 =	vld.idx.msk [tilespmem:v39+s2+$0x0], $0xffff  }
0x9c: {  	v58 =	vadd.s32 v1, v15;
	[tilespmem:s18+$0xFFFFB100] =	vst v48;
	v39 =	vand.u32 $0x1FFF8, v50;
	v50 =	vld [tilespmem:s30+$0x0]  }
0x9d: {  	[tilespmem:s18+$0xFFFF8900] =	vst v37;
	v31 =	vld.idx.msk [tilespmem:v31+s2+$0x0], $0xffff  }
0x9e: {  	v59 =	vadd.s32 v1, v16;
	v60 =	vld.idx.msk [tilespmem:v38+s2+$0x0], $0xffff  }
0x9f: {  	v62 =	vadd.s32 v1, v17;
	[tilespmem:s18+$0xFFFF8960] =	vst v3;
	v36 =	vld.idx.msk [tilespmem:v36+s2+$0x0], $0xffff  }
0xa0: {  	v45 =	vadd.s32 v1, v19;
	[tilespmem:s18+$0xFFFFB010] =	vst v55;
	v44 =	vld.idx.msk [tilespmem:v57+s2+$0x0], $0xffff  }
0xa1: {  	v48 =	vadd.s32 v2, v12;
	[tilespmem:s18+$0xFFFFB030] =	vst v30;
	v30 =	vld.idx.msk [tilespmem:v58+s2+$0x0], $0xffff  }
0xa2: {  	v61 =	vadd.s32 v2, v25;
	v38 =	vand.u32 $0x1FFF8, v48;
	v48 =	vld [tilespmem:s30+$0xFFFFFFE0]  }
0xa3: {  	v63 =	vadd.s32 v1, v18;
	v47 =	vadd.s32 v2, v24;
	v37 =	vld.idx.msk [tilespmem:v59+s2+$0x0], $0xffff;
	[tilespmem:s18+$0xFFFFB050] =	vst v29  }
0xa4: {  	v46 =	vadd.s32 v1, v20;
	v41 =	vand.u32 $0x1FFF8, v47;
	[tilespmem:s18+$0xFFFFB090] =	vst v28;
	v49 =	vld.idx.msk [tilespmem:v62+s2+$0x0], $0xffff  }
0xa5: {  	v51 =	vadd.s32 v2, v5;
	v41 =	vor.u32 v23, v41;
	[tilespmem:s18+$0xFFFFD870] =	vst v31;
	v34 =	vld.idx.msk [tilespmem:v45+s2+$0x0], $0xffff  }
0xa6: {  	[tilespmem:s18+$0xFFFFB0B0] =	vst v36;
	v36 =	vand.u32 $0x1FFF8, v51;
	v51 =	vld [tilespmem:s30+$0xFFFFFFC0]  }
0xa7: {  	[tilespmem:s18+$0xFFFFB070] =	vst v60;
	v29 =	vld.idx.msk [tilespmem:v61+s2+$0x0], $0xffff  }
0xa8: {  	v38 =	vor.u32 v8, v38;
	v28 =	vld.idx.msk [tilespmem:v63+s2+$0x0], $0xffff  }
0xa9: {  	s19 =	sadd.s32 $0x360, s19;
	v31 =	vadd.s32 v1, v22;
	[tilespmem:s18+$0xFFFFB020] =	vst v30;
	v52 =	vld.idx.msk [tilespmem:v46+s2+$0x0], $0xffff  }
0xaa: {  	v3 =	vmov s19;
	v54 =	vld.idx.msk [tilespmem:v41+s2+$0x0], $0xffff  }
0xab: {  	v27 =	vadd.s32 v3, v27;
	v39 =	vor.u32 v21, v39;
	v63 =	vld [tilespmem:s30+$0xFFFFFFD0]  }
0xac: {  	v27 =	vand.u32 $0x1FFF8, v27;
	v36 =	vor.u32 v9, v36;
	[tilespmem:s18+$0xFFFFB040] =	vst v37;
	v37 =	vld [tilespmem:s30+$0x20]  }
0xad: {  	v26 =	vor.u32 v26, v27;
	v27 =	vadd.s32 v2, v4;
	[tilespmem:s18+$0xFFFFB0D0] =	vst v44;
	v55 =	vld.idx.msk [tilespmem:v38+s2+$0x0], $0xffff  }
0xae: {  	v27 =	vand.u32 $0x1FFF8, v27;
	v30 =	vld.idx.msk [tilespmem:v31+s2+$0x0], $0xffff;
	[tilespmem:s18+$0xFFFFB060] =	vst v49  }
0xaf: {  	v53 =	vadd.s32 v2, v6;
	v27 =	vor.u32 v10, v27;
	[tilespmem:s18+$0xFFFFB0A0] =	vst v34;
	v49 =	vld [tilespmem:s30+$0xFFFFFFF0]  }
0xb0: {  	v56 =	vadd.s32 v2, v15;
	v33 =	vand.u32 $0x1FFF8, v53;
	v31 =	vadd.s32 v2, v7;
	[tilespmem:s18+$0xFFFFB080] =	vst v28;
	v28 =	vld.idx.msk [tilespmem:v39+s2+$0x0], $0xffff  }
0xb1: {  	[tilespmem:s18+$0xFFFFD880] =	vst v29;
	v29 =	vand.u32 $0x1FFF8, v31;
	v31 =	vor.u32 v13, v33;
	v58 =	vld.idx.msk [tilespmem:v36+s2+$0x0], $0xffff  }
0xb2: {  	v57 =	vadd.s32 v2, v16;
	v36 =	vld [tilespmem:s30+$0x10]  }
0xb3: {  	[tilespmem:s18+$0xFFFFB0C0] =	vst v52;
	v26 =	vld.idx.msk [tilespmem:v26+s2+$0x0], $0xffff;
	v29 =	vor.u32 v14, v29  }
0xb4: {  	v24 =	vadd.s32 v3, v24;
	v59 =	vadd.s32 v2, v17;
	[tilespmem:s18+$0xFFFFD790] =	vst v54;
	v27 =	vld.idx.msk [tilespmem:v27+s2+$0x0], $0xffff  }
0xb5: {  	v25 =	vadd.s32 v3, v25;
	v24 =	vand.u32 $0x1FFF8, v24;
	[tilespmem:s18+$0xFFFFD7B0] =	vst v55;
	v61 =	vld.idx.msk [tilespmem:v56+s2+$0x0], $0xffff  }
0xb6: {  	v23 =	vor.u32 v23, v24;
	[tilespmem:s18+$0xFFFFB0E0] =	vst v30;
	v30 =	vld.idx.msk [tilespmem:v31+s2+$0x0], $0xffff  }
0xb7: {  	v31 =	vadd.s32 v2, v18;
	[tilespmem:s18+$0xFFFFD7D0] =	vst v28;
	v28 =	vld.idx.msk [tilespmem:v57+s2+$0x0], $0xffff  }
0xb8: {  	v12 =	vadd.s32 v3, v12;
	v29 =	vld.idx.msk [tilespmem:v29+s2+$0x0], $0xffff  }
0xb9: {  	v11 =	vadd.s32 v3, v11;
	[tilespmem:s18+$0xFFFFFFF0] =	vst v26;
	v26 =	vadd.s32 v2, v19;
	v24 =	vld.idx.msk [tilespmem:v59+s2+$0x0], $0xffff  }
0xba: {  	v5 =	vadd.s32 v3, v5;
	v12 =	vand.u32 $0x1FFF8, v12;
	v60 =	vadd.s32 v2, v20;
	[tilespmem:s18+$0xFFFFD7A0] =	vst v61;
	v25 =	vld.idx.msk [tilespmem:v25+s2+$0x0], $0xffff  }
0xbb: {  	v6 =	vadd.s32 v3, v6;
	v11 =	vand.u32 $0x1FFF8, v11;
	v8 =	vor.u32 v8, v12;
	[tilespmem:s18+$0xFFFFD7F0] =	vst v27;
	v23 =	vld.idx.msk [tilespmem:v23+s2+$0x0], $0xffff  }
0xbc: {  	v5 =	vand.u32 $0x1FFF8, v5;
	v6 =	vand.u32 $0x1FFF8, v6;
	v62 =	vadd.s32 v2, v22;
	[tilespmem:s18+$0xFFFFD810] =	vst v58;
	v12 =	vld.idx.msk [tilespmem:v31+s2+$0x0], $0xffff  }
0xbd: {  	v11 =	vor.u32 v21, v11;
	v4 =	vadd.s32 v3, v4;
	v5 =	vor.u32 v9, v5;
	[tilespmem:s18+$0xFFFFD830] =	vst v30;
	v31 =	vld [tilespmem:s30+$0x30]  }
0xbe: {  	v6 =	vor.u32 v13, v6;
	v4 =	vand.u32 $0x1FFF8, v4;
	v13 =	vadd.s32 v3, v15;
	[tilespmem:s18+$0xFFFFD7C0] =	vst v28;
	v21 =	vld.idx.msk [tilespmem:v26+s2+$0x0], $0xffff  }
0xbf: {  	v4 =	vor.u32 v10, v4;
	v7 =	vadd.s32 v3, v7;
	[tilespmem:s18+$0xFFFFD850] =	vst v29;
	v26 =	vld.idx.msk [tilespmem:v60+s2+$0x0], $0xffff  }
0xc0: {  	v20 =	vadd.s32 v3, v20;
	v7 =	vand.u32 $0x1FFF8, v7;
	v15 =	vadd.s32 v3, v17;
	v28 =	vld.idx.msk [tilespmem:v8+s2+$0x0], $0xffff;
	[tilespmem:s18+$0xFFFFD7E0] =	vst v24  }
0xc1: {  	v7 =	vor.u32 v14, v7;
	v14 =	vadd.s32 v3, v16;
	v30 =	vld.idx.msk [tilespmem:v62+s2+$0x0], $0xffff;
	[tilespmem:s18+$0xFFFFFF10] =	vst v23  }
0xc2: {  	v10 =	vand.u32 $0xFFFF, v63;
	v16 =	vadd.s32 v3, v18;
	v18 =	vadd.s32 v3, v19;
	v24 =	vld.idx.msk [tilespmem:v11+s2+$0x0], $0xffff;
	[tilespmem:s18+$0xFFFFD800] =	vst v12  }
0xc3: {  	v19 =	vadd.s32 v0, v10;
	v11 =	vand.u32 $0xFFFF, v49;
	v52 =	vld.idx.msk [tilespmem:v13+s2+$0x0], $0xffff;
	v29 =	vand.u32 $0xFFFF, v31;
	[tilespmem:s18+$0xFFFFD820] =	vst v21  }
0xc4: {  	v9 =	vand.u32 $0xFFFF, v48;
	v23 =	vadd.s32 v0, v11;
	v8 =	vadd.s32 v0, v29;
	v4 =	vld.idx.msk [tilespmem:v4+s2+$0x0], $0xffff;
	[tilespmem:s18+$0xFFFFD840] =	vst v26  }
0xc5: {  	v13 =	vand.u32 $0xFFFF, v36;
	v27 =	vand.u32 $0x7, v31;
	[tilespmem:s18+$0xFFFFFF30] =	vst v28;
	v8 =	vand.u32 $0x1FFF8, v8;
	v5 =	vld.idx.msk [tilespmem:v5+s2+$0x0], $0xffff  }
0xc6: {  	v43 =	vadd.s32 v0, v13;
	v23 =	vand.u32 $0x1FFF8, v23;
	[tilespmem:s18+$0xFFFFD860] =	vst v30;
	v6 =	vld.idx.msk [tilespmem:v6+s2+$0x0], $0xffff;
	v17 =	vor.u32 v27, v8  }
0xc7: {  	v12 =	vand.u32 $0xFFFF, v50;
	v21 =	vadd.s32 v3, v22;
	v22 =	vadd.s32 v0, v9;
	[tilespmem:s18+$0xFFFFFF50] =	vst v24;
	v24 =	vld.idx.msk [tilespmem:v14+s2+$0x0], $0xffff  }
0xc8: {  	v26 =	vand.u32 $0x1FFF8, v19;
	v28 =	vadd.s32 v0, v12;
	v19 =	vand.u32 $0xFFFF, v51;
	v7 =	vld.idx.msk [tilespmem:v7+s2+$0x0], $0xffff  }
0xc9: {  	v22 =	vand.u32 $0x1FFF8, v22;
	v30 =	vshra.s32 v31, $0x10;
	v8 =	vand.u32 $0x7, v63;
	v42 =	vld.idx.msk [tilespmem:v15+s2+$0x0], $0xffff;
	[tilespmem:s18+$0xFFFFFF70] =	vst v4  }
0xca: {  	v14 =	vand.u32 $0x7, v51;
	v15 =	vand.u32 $0x7, v48;
	v26 =	vor.u32 v8, v26;
	v4 =	vld.idx.msk [tilespmem:v16+s2+$0x0], $0xffff  }
0xcb: {  	v54 =	vadd.s32 v0, v30;
	v44 =	vor.u32 v15, v22;
	[tilespmem:s18+$0xFFFFFF90] =	vst v5;
	v16 =	vand.u32 $0x7, v49;
	v53 =	vld.idx.msk [tilespmem:v17+s2+$0x0], $0xffff  }
0xcc: {  	v28 =	vand.u32 $0x1FFF8, v28;
	[tilespmem:s18+$0xFFFFFFB0] =	vst v6;
	v17 =	vadd.s32 v0, v19;
	v5 =	vld.idx.msk [tilespmem:v18+s2+$0x0], $0xffff;
	v45 =	vor.u32 v16, v23  }
0xcd: {  	[tilespmem:s18+$0xFFFFFFD0] =	vst v7;
	v6 =	vld.idx.msk [tilespmem:v20+s2+$0x0], $0xffff;
	v18 =	vand.u32 $0x7, v50;
	v20 =	vadd.s32 v1, v29;
	v23 =	vand.u32 $0x1FFF8, v43  }
0xce: {  	v31 =	vand.u32 $0x1FFF8, v17;
	v17 =	vand.u32 $0xFFFF, v37;
	v7 =	vld.idx.msk [tilespmem:v21+s2+$0x0], $0xffff;
	v28 =	vor.u32 v18, v28  }
0xcf: {  	v22 =	vand.u32 $0x1FFF8, v20;
	v20 =	vand.u32 $0x7, v36;
	v26 =	vld.idx.msk [tilespmem:v26+s2+$0x0], $0xffff;
	v31 =	vor.u32 v14, v31  }
0xd0: {  	s19 =	simm.s32 $0x10E90;
	[tilespmem:s18+$0x0] =	vst v25;
	v57 =	vld.idx.msk [tilespmem:v44+s2+$0x0], $0xffff;
	v21 =	vadd.s32 v0, v17;
	v43 =	vor.u32 v20, v23;
	v23 =	vshra.s32 v63, $0x10  }
0xd1: {  	v25 =	vand.u32 $0x1FFF8, v21;
	v21 =	vand.u32 $0x7, v37;
	v60 =	vadd.s32 v0, v23;
	[tilespmem:s19+$0xFFFF8970] =	vst v53;
	v59 =	vld.idx.msk [tilespmem:v45+s2+$0x0], $0xffff  }
0xd2: {  	[tilespmem:s18+$0xFFFFFF20] =	vst v52;
	v56 =	vor.u32 v21, v25;
	v25 =	vshra.s32 v48, $0x10;
	v40 =	vld.idx.msk [tilespmem:v54+s2+$0x0], $0xffff  }
0xd3: {  	[tilespmem:s18+$0xFFFFFF40] =	vst v24;
	v24 =	vshra.s32 v49, $0x10;
	v62 =	vadd.s32 v0, v25;
	v61 =	vld.idx.msk [tilespmem:v28+s2+$0x0], $0xffff  }
0xd4: {  	[tilespmem:s18+$0xFFFFFF60] =	vst v42;
	v63 =	vadd.s32 v0, v24;
	v31 =	vld.idx.msk [tilespmem:v31+s2+$0x0], $0xffff  }
0xd5: {  	v55 =	vor.u32 v27, v22;
	v28 =	vshra.s32 v50, $0x10;
	[tilespmem:s19+$0xFFFF88B0] =	vst v26;
	v48 =	vld.idx.msk [tilespmem:v43+s2+$0x0], $0xffff  }
0xd6: {  	v22 =	vshra.s32 v51, $0x10;
	[tilespmem:s19+$0xFFFF88D0] =	vst v57;
	v51 =	vadd.s32 v0, v28;
	v33 =	vld.idx.msk [tilespmem:v60+s2+$0x0], $0xffff  }
0xd7: {  	v58 =	vadd.s32 v0, v22;
	v26 =	vshra.s32 v36, $0x10;
	v54 =	vadd.s32 v1, v10;
	v49 =	vld.idx.msk [tilespmem:v56+s2+$0x0], $0xffff;
	[tilespmem:s19+$0xFFFF88F0] =	vst v59  }
0xd8: {  	v52 =	vadd.s32 v0, v26;
	v43 =	vand.u32 $0x1FFF8, v54;
	v34 =	vld.idx.msk [tilespmem:v62+s2+$0x0], $0xffff;
	v59 =	vadd.s32 v1, v11;
	[tilespmem:s19+$0xFFFF8980] =	vst v40  }
0xd9: {  	v43 =	vor.u32 v8, v43;
	[tilespmem:s19+$0xFFFF8910] =	vst v61;
	v41 =	vld.idx.msk [tilespmem:v63+s2+$0x0], $0xffff;
	v45 =	vand.u32 $0x1FFF8, v59  }
0xda: {  	v40 =	vld.idx.msk [tilespmem:v55+s2+$0x0], $0xffff;
	[tilespmem:s19+$0xFFFF8890] =	vst v31;
	v45 =	vor.u32 v16, v45  }
0xdb: {  	v50 =	vadd.s32 v1, v30;
	v61 =	vadd.s32 v1, v12;
	v31 =	vshra.s32 v37, $0x10;
	[tilespmem:s19+$0xFFFF8930] =	vst v48;
	v36 =	vld.idx.msk [tilespmem:v51+s2+$0x0], $0xffff  }
0xdc: {  	v53 =	vadd.s32 v1, v19;
	v42 =	vand.u32 $0x1FFF8, v61;
	v32 =	vld.idx.msk [tilespmem:v58+s2+$0x0], $0xffff;
	v55 =	vadd.s32 v0, v31;
	[tilespmem:s19+$0xFFFF88C0] =	vst v33  }
0xdd: {  	v39 =	vand.u32 $0x1FFF8, v53;
	v63 =	vadd.s32 v1, v13;
	v62 =	vld.idx.msk [tilespmem:v52+s2+$0x0], $0xffff;
	v42 =	vor.u32 v18, v42;
	[tilespmem:s19+$0xFFFF8950] =	vst v49  }
0xde: {  	v39 =	vor.u32 v14, v39;
	v37 =	vand.u32 $0x1FFF8, v63;
	v43 =	vld.idx.msk [tilespmem:v43+s2+$0x0], $0xffff;
	[tilespmem:s19+$0xFFFF8900] =	vst v41  }
0xdf: {  	v56 =	vadd.s32 v1, v9;
	v37 =	vor.u32 v20, v37;
	[tilespmem:s19+$0xFFFFB0F0] =	vst v40;
	v41 =	vld.idx.msk [tilespmem:v45+s2+$0x0], $0xffff  }
0xe0: {  	v57 =	vand.u32 $0x1FFF8, v56;
	v58 =	vadd.s32 v2, v29;
	v52 =	vadd.s32 v1, v23;
	[tilespmem:s19+$0xFFFF88E0] =	vst v34;
	v38 =	vld.idx.msk [tilespmem:v50+s2+$0x0], $0xffff  }
0xe1: {  	v60 =	vand.u32 $0x1FFF8, v58;
	v49 =	vadd.s32 v1, v17;
	v40 =	vor.u32 v15, v57;
	[tilespmem:s19+$0xFFFF8920] =	vst v36;
	v48 =	vld.idx.msk [tilespmem:v55+s2+$0x0], $0xffff  }
0xe2: {  	v35 =	vor.u32 v27, v60;
	[tilespmem:s19+$0xFFFF88A0] =	vst v32;
	v50 =	vand.u32 $0x1FFF8, v49;
	v53 =	vld.idx.msk [tilespmem:v42+s2+$0x0], $0xffff  }
0xe3: {  	[tilespmem:s19+$0xFFFF8940] =	vst v62;
	v39 =	vld.idx.msk [tilespmem:v39+s2+$0x0], $0xffff;
	v34 =	vor.u32 v21, v50  }
0xe4: {  	v56 =	vadd.s32 v1, v24;
	v37 =	vld.idx.msk [tilespmem:v37+s2+$0x0], $0xffff;
	[tilespmem:s19+$0xFFFFB030] =	vst v43  }
0xe5: {  	v57 =	vadd.s32 v1, v28;
	v36 =	vld.idx.msk [tilespmem:v52+s2+$0x0], $0xffff;
	[tilespmem:s19+$0xFFFFB070] =	vst v41  }
0xe6: {  	v51 =	vadd.s32 v1, v22;
	v40 =	vld.idx.msk [tilespmem:v40+s2+$0x0], $0xffff;
	[tilespmem:s19+$0xFFFFB100] =	vst v38  }
0xe7: {  	v61 =	vadd.s32 v2, v10;
	v58 =	vadd.s32 v1, v26;
	[tilespmem:s19+$0xFFFF8960] =	vst v48;
	v35 =	vld.idx.msk [tilespmem:v35+s2+$0x0], $0xffff  }
0xe8: {  	v29 =	vadd.s32 v3, v29;
	v55 =	vadd.s32 v1, v25;
	v41 =	vand.u32 $0x1FFF8, v61;
	[tilespmem:s19+$0xFFFFB090] =	vst v53;
	v34 =	vld.idx.msk [tilespmem:v34+s2+$0x0], $0xffff  }
0xe9: {  	v54 =	vadd.s32 v2, v30;
	v29 =	vand.u32 $0x1FFF8, v29;
	v63 =	vor.u32 v8, v41;
	[tilespmem:s19+$0xFFFFB010] =	vst v39;
	v39 =	vld.idx.msk [tilespmem:v56+s2+$0x0], $0xffff  }
0xea: {  	v27 =	vor.u32 v27, v29;
	v29 =	vadd.s32 v2, v11;
	[tilespmem:s19+$0xFFFFB0B0] =	vst v37;
	v45 =	vld.idx.msk [tilespmem:v57+s2+$0x0], $0xffff  }
0xeb: {  	v59 =	vadd.s32 v2, v19;
	v60 =	vadd.s32 v1, v31;
	v29 =	vand.u32 $0x1FFF8, v29;
	v38 =	vld.idx.msk [tilespmem:v51+s2+$0x0], $0xffff;
	[tilespmem:s19+$0xFFFFB040] =	vst v36  }
0xec: {  	v44 =	vand.u32 $0x1FFF8, v59;
	v29 =	vor.u32 v16, v29;
	v48 =	vadd.s32 v2, v13;
	v47 =	vld.idx.msk [tilespmem:v58+s2+$0x0], $0xffff;
	[tilespmem:s19+$0xFFFFB050] =	vst v40  }
0xed: {  	v44 =	vor.u32 v14, v44;
	v62 =	vadd.s32 v2, v9;
	v40 =	vand.u32 $0x1FFF8, v48;
	v42 =	vld.idx.msk [tilespmem:v55+s2+$0x0], $0xffff;
	[tilespmem:s19+$0xFFFFD870] =	vst v35  }
0xee: {  	v46 =	vadd.s32 v2, v12;
	v32 =	vand.u32 $0x1FFF8, v62;
	v52 =	vor.u32 v20, v40;
	v37 =	vld.idx.msk [tilespmem:v63+s2+$0x0], $0xffff;
	[tilespmem:s19+$0xFFFFB0D0] =	vst v34  }
0xef: {  	v32 =	vor.u32 v15, v32;
	v34 =	vand.u32 $0x1FFF8, v46;
	[tilespmem:s19+$0xFFFFB080] =	vst v39;
	v33 =	vld.idx.msk [tilespmem:v54+s2+$0x0], $0xffff  }
0xf0: {  	[tilespmem:s19+$0xFFFFB0A0] =	vst v45;
	v35 =	vld.idx.msk [tilespmem:v60+s2+$0x0], $0xffff;
	v34 =	vor.u32 v18, v34  }
0xf1: {  	[tilespmem:s19+$0xFFFFB020] =	vst v38;
	v29 =	vld.idx.msk [tilespmem:v29+s2+$0x0], $0xffff  }
0xf2: {  	[tilespmem:s19+$0xFFFFB0C0] =	vst v47;
	v54 =	vadd.s32 v2, v23;
	v50 =	vld.idx.msk [tilespmem:v44+s2+$0x0], $0xffff  }
0xf3: {  	v49 =	vadd.s32 v2, v17;
	v56 =	vadd.s32 v2, v24;
	[tilespmem:s19+$0xFFFFB060] =	vst v42;
	v36 =	vld.idx.msk [tilespmem:v52+s2+$0x0], $0xffff  }
0xf4: {  	v53 =	vadd.s32 v2, v22;
	v51 =	vand.u32 $0x1FFF8, v49;
	[tilespmem:s19+$0xFFFFD7B0] =	vst v37;
	v32 =	vld.idx.msk [tilespmem:v32+s2+$0x0], $0xffff  }
0xf5: {  	v30 =	vadd.s32 v3, v30;
	[tilespmem:s19+$0xFFFFD880] =	vst v33;
	v33 =	vor.u32 v21, v51;
	v34 =	vld.idx.msk [tilespmem:v34+s2+$0x0], $0xffff  }
0xf6: {  	v19 =	vadd.s32 v3, v19;
	v58 =	vadd.s32 v2, v26;
	[tilespmem:s19+$0xFFFFB0E0] =	vst v35;
	v27 =	vld.idx.msk [tilespmem:v27+s2+$0x0], $0xffff  }
0xf7: {  	v12 =	vadd.s32 v3, v12;
	v55 =	vadd.s32 v2, v25;
	v60 =	vld.idx.msk [tilespmem:v54+s2+$0x0], $0xffff;
	[tilespmem:s19+$0xFFFFD7F0] =	vst v29  }
0xf8: {  	v10 =	vadd.s32 v3, v10;
	v11 =	vadd.s32 v3, v11;
	[tilespmem:s19+$0xFFFFD790] =	vst v50;
	v35 =	vld.idx.msk [tilespmem:v56+s2+$0x0], $0xffff  }
0xf9: {  	v10 =	vand.u32 $0x1FFF8, v10;
	v9 =	vadd.s32 v3, v9;
	v57 =	vadd.s32 v2, v28;
	v59 =	vld.idx.msk [tilespmem:v53+s2+$0x0], $0xffff;
	[tilespmem:s19+$0xFFFFD830] =	vst v36  }
0xfa: {  	v17 =	vadd.s32 v3, v17;
	v9 =	vand.u32 $0x1FFF8, v9;
	v62 =	vor.u32 v8, v10;
	[tilespmem:s19+$0xFFFFD7D0] =	vst v32;
	v33 =	vld.idx.msk [tilespmem:v33+s2+$0x0], $0xffff  }
0xfb: {  	v19 =	vand.u32 $0x1FFF8, v19;
	v63 =	vor.u32 v15, v9;
	v9 =	vld.idx.msk [tilespmem:v58+s2+$0x0], $0xffff;
	[tilespmem:s19+$0xFFFFFFF0] =	vst v27;
	v27 =	vadd.s32 v2, v31  }
0xfc: {  	v11 =	vand.u32 $0x1FFF8, v11;
	v13 =	vadd.s32 v3, v13;
	v29 =	vor.u32 v14, v19;
	v61 =	vld.idx.msk [tilespmem:v55+s2+$0x0], $0xffff;
	[tilespmem:s19+$0xFFFFD810] =	vst v34  }
0xfd: {  	v10 =	vand.u32 $0x1FFF8, v13;
	v28 =	vadd.s32 v3, v28;
	v14 =	vand.u32 $0x1FFF8, v12;
	[tilespmem:s19+$0xFFFFD7C0] =	vst v60;
	v30 =	vld.idx.msk [tilespmem:v30+s2+$0x0], $0xffff  }
0xfe: {  	v12 =	vor.u32 v16, v11;
	v11 =	vand.u32 $0x1FFF8, v17;
	v17 =	vor.u32 v20, v10;
	v8 =	vld.idx.msk [tilespmem:v57+s2+$0x0], $0xffff;
	[tilespmem:s19+$0xFFFFD800] =	vst v35  }
0xff: {  	v19 =	vadd.s32 v3, v23;
	v13 =	vor.u32 v18, v14;
	v15 =	vld.idx.msk [tilespmem:v62+s2+$0x0], $0xffff;
	[tilespmem:s19+$0xFFFFD850] =	vst v33  }
0x100: {  	v20 =	vor.u32 v21, v11;
	v14 =	vadd.s32 v3, v22;
	[tilespmem:s19+$0xFFFFD7A0] =	vst v59;
	v10 =	vld.idx.msk [tilespmem:v27+s2+$0x0], $0xffff  }
0x101: {  	s17 =	sshll.u32 s17, $0x6;
	s31 =	sshll.u32 s16, $0x2;
	v18 =	vadd.s32 v3, v25;
	v22 =	vadd.s32 v3, v24;
	v11 =	vld.idx.msk [tilespmem:v29+s2+$0x0], $0xffff;
	[tilespmem:s19+$0xFFFFD7E0] =	vst v61  }
0x102: {  	s21 =	simm.s32 $0x8;
	s22 =	simm.s32 $0x7050;
	s20 =	sor.u32 s31, s17;
	v24 =	vadd.s32 v3, v26;
	v25 =	vadd.s32 v3, v31;
	v16 =	vld.idx.msk [tilespmem:v63+s2+$0x0], $0xffff;
	[tilespmem:s19+$0x0] =	vst v30  }
.LBB2_9:
0x103: {  	v21 =	vld [tilespmem:s22+$0x30];
	s21 =	sadd.s32 $0x8, s21;
	[tilespmem:s19+$0xFFFFD820] =	vst v8  }
0x104: {  	v26 =	vld [tilespmem:s22+$0xFFFFFFD0];
	p1 =	slt.u32 s21, $0x130;
	[tilespmem:s19+$0xFFFFD840] =	vst v9  }
0x105: {  	v27 =	vld [tilespmem:s22+$0xFFFFFFE0];
	[tilespmem:s19+$0xFFFFD860] =	vst v10  }
0x106: {  	v29 =	vld [tilespmem:s22+$0xFFFFFFF0];
	[tilespmem:s19+$0xFFFFFF10] =	vst v11  }
0x107: {  	v30 =	vld [tilespmem:s22+$0x0];
	[tilespmem:s19+$0xFFFFFF30] =	vst v15  }
0x108: {  	v32 =	vld [tilespmem:s22+$0x10];
	v15 =	vand.u32 $0xFFFF, v21;
	[tilespmem:s19+$0xFFFFFF50] =	vst v16  }
0x109: {  	v9 =	vand.u32 $0xFFFF, v26;
	v8 =	vand.u32 $0x7, v26;
	v33 =	vld [tilespmem:s22+$0x20];
	v11 =	vadd.s32 v0, v15;
	[tilespmem:s18+$0xFFFFFF80] =	vst v4  }
0x10a: {  	v16 =	vand.u32 $0x7, v21;
	v34 =	vld [tilespmem:s22+$0xFFFFFFC0];
	v10 =	vand.u32 $0xFFFF, v27;
	v4 =	vand.u32 $0x1FFF8, v11;
	[tilespmem:s18+$0xFFFFFFA0] =	vst v5  }
0x10b: {  	v5 =	vadd.s32 v0, v9;
	v11 =	vand.u32 $0xFFFF, v29;
	v4 =	vor.u32 v16, v4;
	v23 =	vld.idx.msk [tilespmem:v12+s2+$0x0], $0xffff;
	[tilespmem:s18+$0xFFFFFFC0] =	vst v6  }
0x10c: {  	v6 =	vadd.s32 v0, v10;
	v35 =	vadd.s32 v0, v11;
	v12 =	vand.u32 $0xFFFF, v30;
	v36 =	vld.idx.msk [tilespmem:v13+s2+$0x0], $0xffff;
	[tilespmem:s18+$0xFFFFFFE0] =	vst v7;
	s18 =	smov.u32 s19  }
0x10d: {  	v5 =	vand.u32 $0x1FFF8, v5;
	v7 =	vadd.s32 v0, v12;
	v13 =	vand.u32 $0xFFFF, v32;
	v37 =	vld.idx.msk [tilespmem:v17+s2+$0x0], $0xffff  }
0x10e: {  	v6 =	vand.u32 $0x1FFF8, v6;
	v38 =	vadd.s32 v0, v13;
	v17 =	vand.u32 $0xFFFF, v33;
	v39 =	vld.idx.msk [tilespmem:v20+s2+$0x0], $0xffff  }
0x10f: {  	v35 =	vand.u32 $0x1FFF8, v35;
	v31 =	vand.u32 $0xFFFF, v34;
	v20 =	vadd.s32 v0, v17;
	v40 =	vld.idx.msk [tilespmem:v14+s2+$0x0], $0xffff  }
0x110: {  	v7 =	vand.u32 $0x1FFF8, v7;
	v38 =	vand.u32 $0x1FFF8, v38;
	v14 =	vadd.s32 v0, v31;
	v41 =	vld.idx.msk [tilespmem:v4+s2+$0x0], $0xffff  }
0x111: {  	v43 =	vand.u32 $0x1FFF8, v20;
	v42 =	vand.u32 $0x1FFF8, v14;
	v14 =	vshra.s32 v21, $0x10;
	v44 =	vld.idx.msk [tilespmem:v19+s2+$0x0], $0xffff;
	[tilespmem:s19+$0xFFFFFF70] =	vst v23  }
0x112: {  	v23 =	vand.u32 $0x7, v34;
	v19 =	vand.u32 $0x7, v27;
	v45 =	vadd.s32 v0, v14;
	v46 =	vld.idx.msk [tilespmem:v18+s2+$0x0], $0xffff;
	[tilespmem:s19+$0xFFFFFF90] =	vst v36  }
0x113: {  	v20 =	vand.u32 $0x7, v29;
	v21 =	vand.u32 $0x7, v30;
	v18 =	vand.u32 $0x7, v32;
	v4 =	vld.idx.msk [tilespmem:v22+s2+$0x0], $0xffff;
	[tilespmem:s19+$0xFFFFFFB0] =	vst v37  }
0x114: {  	v36 =	vor.u32 v23, v42;
	v37 =	vor.u32 v8, v5;
	v22 =	vand.u32 $0x7, v33;
	v5 =	vld.idx.msk [tilespmem:v28+s2+$0x0], $0xffff;
	[tilespmem:s19+$0xFFFFFFD0] =	vst v39  }
0x115: {  	v35 =	vor.u32 v20, v35;
	v42 =	vor.u32 v21, v7;
	v39 =	vor.u32 v19, v6;
	s19 =	sadd.s32 $0x100, s19;
	v6 =	vld.idx.msk [tilespmem:v24+s2+$0x0], $0xffff  }
0x116: {  	v24 =	vshra.s32 v34, $0x10;
	v34 =	vor.u32 v18, v38;
	v38 =	vor.u32 v22, v43;
	[tilespmem:s19+$0xFFFF8970] =	vst v41;
	v7 =	vld.idx.msk [tilespmem:v25+s2+$0x0], $0xffff  }
0x117: {  	v28 =	vshra.s32 v26, $0x10;
	v25 =	vshra.s32 v27, $0x10;
	v27 =	vadd.s32 v1, v15;
	v41 =	vld.idx.msk [tilespmem:v45+s2+$0x0], $0xffff;
	[tilespmem:s18+$0xFFFFFF20] =	vst v40  }
0x118: {  	v29 =	vshra.s32 v29, $0x10;
	v26 =	vshra.s32 v30, $0x10;
	v40 =	vand.u32 $0x1FFF8, v27;
	[tilespmem:s18+$0xFFFFFF40] =	vst v44  }
0x119: {  	v30 =	vshra.s32 v32, $0x10;
	v27 =	vshra.s32 v33, $0x10;
	v32 =	vor.u32 v16, v40;
	v36 =	vld.idx.msk [tilespmem:v36+s2+$0x0], $0xffff;
	[tilespmem:s18+$0xFFFFFF60] =	vst v46  }
0x11a: {  	v33 =	vadd.s32 v0, v24;
	v43 =	vadd.s32 v0, v25;
	v40 =	vadd.s32 v0, v28;
	v37 =	vld.idx.msk [tilespmem:v37+s2+$0x0], $0xffff  }
0x11b: {  	v45 =	vadd.s32 v0, v26;
	v44 =	vadd.s32 v0, v29;
	v46 =	vadd.s32 v0, v30;
	v39 =	vld.idx.msk [tilespmem:v39+s2+$0x0], $0xffff  }
0x11c: {  	v48 =	vadd.s32 v1, v9;
	v47 =	vadd.s32 v1, v31;
	v49 =	vadd.s32 v0, v27;
	v35 =	vld.idx.msk [tilespmem:v35+s2+$0x0], $0xffff  }
0x11d: {  	v50 =	vadd.s32 v1, v10;
	v51 =	vadd.s32 v1, v11;
	v47 =	vand.u32 $0x1FFF8, v47;
	v42 =	vld.idx.msk [tilespmem:v42+s2+$0x0], $0xffff;
	[tilespmem:s19+$0xFFFF8980] =	vst v41  }
0x11e: {  	v52 =	vadd.s32 v1, v13;
	v53 =	vadd.s32 v1, v17;
	v41 =	vadd.s32 v1, v12;
	v32 =	vld.idx.msk [tilespmem:v32+s2+$0x0], $0xffff  }
0x11f: {  	[tilespmem:s19+$0xFFFF8890] =	vst v36;
	v36 =	vand.u32 $0x1FFF8, v48;
	v48 =	vand.u32 $0x1FFF8, v50;
	v50 =	vand.u32 $0x1FFF8, v51;
	v34 =	vld.idx.msk [tilespmem:v34+s2+$0x0], $0xffff  }
0x120: {  	v51 =	vadd.s32 v1, v14;
	[tilespmem:s19+$0xFFFF88B0] =	vst v37;
	v37 =	vand.u32 $0x1FFF8, v41;
	v41 =	vand.u32 $0x1FFF8, v52;
	v38 =	vld.idx.msk [tilespmem:v38+s2+$0x0], $0xffff  }
0x121: {  	v47 =	vor.u32 v23, v47;
	v36 =	vor.u32 v8, v36;
	v33 =	vld.idx.msk [tilespmem:v33+s2+$0x0], $0xffff;
	[tilespmem:s19+$0xFFFF88D0] =	vst v39;
	v39 =	vand.u32 $0x1FFF8, v53  }
0x122: {  	v48 =	vor.u32 v19, v48;
	v40 =	vld.idx.msk [tilespmem:v40+s2+$0x0], $0xffff;
	[tilespmem:s19+$0xFFFF88F0] =	vst v35;
	v35 =	vor.u32 v20, v50  }
0x123: {  	v37 =	vor.u32 v21, v37;
	v41 =	vor.u32 v18, v41;
	v43 =	vld.idx.msk [tilespmem:v43+s2+$0x0], $0xffff;
	[tilespmem:s19+$0xFFFF8910] =	vst v42  }
0x124: {  	v39 =	vor.u32 v22, v39;
	v42 =	vadd.s32 v1, v24;
	v44 =	vld.idx.msk [tilespmem:v44+s2+$0x0], $0xffff;
	[tilespmem:s19+$0xFFFFB0F0] =	vst v32  }
0x125: {  	v50 =	vadd.s32 v2, v15;
	v32 =	vadd.s32 v1, v28;
	[tilespmem:s19+$0xFFFF8930] =	vst v34;
	v34 =	vld.idx.msk [tilespmem:v51+s2+$0x0], $0xffff  }
0x126: {  	v52 =	vadd.s32 v1, v29;
	v51 =	vadd.s32 v1, v25;
	v45 =	vld.idx.msk [tilespmem:v45+s2+$0x0], $0xffff;
	[tilespmem:s19+$0xFFFF8950] =	vst v38;
	v38 =	vand.u32 $0x1FFF8, v50  }
0x127: {  	[tilespmem:s19+$0xFFFF88A0] =	vst v33;
	v33 =	vadd.s32 v1, v26;
	v46 =	vld.idx.msk [tilespmem:v46+s2+$0x0], $0xffff;
	v38 =	vor.u32 v16, v38  }
0x128: {  	v50 =	vadd.s32 v1, v27;
	[tilespmem:s19+$0xFFFF88C0] =	vst v40;
	v40 =	vadd.s32 v1, v30;
	v49 =	vld.idx.msk [tilespmem:v49+s2+$0x0], $0xffff  }
0x129: {  	v54 =	vadd.s32 v2, v9;
	v53 =	vadd.s32 v2, v31;
	v47 =	vld.idx.msk [tilespmem:v47+s2+$0x0], $0xffff;
	[tilespmem:s19+$0xFFFF88E0] =	vst v43  }
0x12a: {  	v43 =	vand.u32 $0x1FFF8, v53;
	v53 =	vadd.s32 v2, v10;
	v36 =	vld.idx.msk [tilespmem:v36+s2+$0x0], $0xffff;
	[tilespmem:s19+$0xFFFF8900] =	vst v44;
	v44 =	vadd.s32 v2, v11  }
0x12b: {  	v54 =	vand.u32 $0x1FFF8, v54;
	v55 =	vadd.s32 v2, v12;
	v56 =	vadd.s32 v2, v13;
	v48 =	vld.idx.msk [tilespmem:v48+s2+$0x0], $0xffff;
	[tilespmem:s19+$0xFFFFB100] =	vst v34  }
0x12c: {  	v34 =	vand.u32 $0x1FFF8, v53;
	v44 =	vand.u32 $0x1FFF8, v44;
	[tilespmem:s19+$0xFFFF8920] =	vst v45;
	v45 =	vadd.s32 v2, v17;
	v38 =	vld.idx.msk [tilespmem:v38+s2+$0x0], $0xffff  }
0x12d: {  	v53 =	vand.u32 $0x1FFF8, v55;
	v35 =	vld.idx.msk [tilespmem:v35+s2+$0x0], $0xffff;
	[tilespmem:s19+$0xFFFF8940] =	vst v46;
	v46 =	vand.u32 $0x1FFF8, v56;
	v45 =	vand.u32 $0x1FFF8, v45  }
0x12e: {  	v43 =	vor.u32 v23, v43;
	v37 =	vld.idx.msk [tilespmem:v37+s2+$0x0], $0xffff;
	[tilespmem:s19+$0xFFFF8960] =	vst v49;
	v49 =	vadd.s32 v2, v14  }
0x12f: {  	v34 =	vor.u32 v19, v34;
	[tilespmem:s19+$0xFFFFB010] =	vst v47;
	v47 =	vor.u32 v8, v54;
	v41 =	vld.idx.msk [tilespmem:v41+s2+$0x0], $0xffff  }
0x130: {  	[tilespmem:s19+$0xFFFFB030] =	vst v36;
	v36 =	vor.u32 v20, v44;
	v44 =	vor.u32 v21, v53;
	v39 =	vld.idx.msk [tilespmem:v39+s2+$0x0], $0xffff  }
0x131: {  	v46 =	vor.u32 v18, v46;
	v45 =	vor.u32 v22, v45;
	v42 =	vld.idx.msk [tilespmem:v42+s2+$0x0], $0xffff;
	[tilespmem:s19+$0xFFFFB050] =	vst v48  }
0x132: {  	v53 =	vadd.s32 v2, v28;
	v48 =	vadd.s32 v2, v24;
	v32 =	vld.idx.msk [tilespmem:v32+s2+$0x0], $0xffff;
	[tilespmem:s19+$0xFFFFD870] =	vst v38  }
0x133: {  	v15 =	vadd.s32 v3, v15;
	v38 =	vadd.s32 v2, v25;
	[tilespmem:s19+$0xFFFFB070] =	vst v35;
	v35 =	vld.idx.msk [tilespmem:v49+s2+$0x0], $0xffff  }
0x134: {  	v15 =	vand.u32 $0x1FFF8, v15;
	v49 =	vld.idx.msk [tilespmem:v51+s2+$0x0], $0xffff;
	v51 =	vadd.s32 v2, v29;
	[tilespmem:s19+$0xFFFFB090] =	vst v37;
	v37 =	vadd.s32 v2, v26  }
0x135: {  	v15 =	vor.u32 v16, v15;
	v52 =	vld.idx.msk [tilespmem:v52+s2+$0x0], $0xffff;
	[tilespmem:s19+$0xFFFFB0B0] =	vst v41;
	v41 =	vadd.s32 v2, v30  }
0x136: {  	v16 =	vadd.s32 v3, v31;
	v31 =	vld.idx.msk [tilespmem:v33+s2+$0x0], $0xffff;
	[tilespmem:s19+$0xFFFFB0D0] =	vst v39;
	v33 =	vadd.s32 v2, v27  }
0x137: {  	v9 =	vadd.s32 v3, v9;
	v16 =	vand.u32 $0x1FFF8, v16;
	v10 =	vadd.s32 v3, v10;
	[tilespmem:s19+$0xFFFFB020] =	vst v42;
	v39 =	vld.idx.msk [tilespmem:v40+s2+$0x0], $0xffff  }
0x138: {  	v9 =	vand.u32 $0x1FFF8, v9;
	v12 =	vadd.s32 v3, v12;
	v11 =	vadd.s32 v3, v11;
	[tilespmem:s19+$0xFFFFB040] =	vst v32;
	v32 =	vld.idx.msk [tilespmem:v50+s2+$0x0], $0xffff  }
0x139: {  	v13 =	vadd.s32 v3, v13;
	v10 =	vand.u32 $0x1FFF8, v10;
	v17 =	vadd.s32 v3, v17;
	v40 =	vld.idx.msk [tilespmem:v43+s2+$0x0], $0xffff;
	[tilespmem:s19+$0xFFFFD880] =	vst v35  }
0x13a: {  	v11 =	vand.u32 $0x1FFF8, v11;
	v42 =	vand.u32 $0x1FFF8, v13;
	v35 =	vand.u32 $0x1FFF8, v12;
	[tilespmem:s19+$0xFFFFB060] =	vst v49;
	v15 =	vld.idx.msk [tilespmem:v15+s2+$0x0], $0xffff  }
0x13b: {  	v16 =	vor.u32 v23, v16;
	v43 =	vor.u32 v8, v9;
	v8 =	vand.u32 $0x1FFF8, v17;
	v23 =	vld.idx.msk [tilespmem:v47+s2+$0x0], $0xffff;
	[tilespmem:s19+$0xFFFFB080] =	vst v52  }
0x13c: {  	v9 =	vld.idx.msk [tilespmem:v34+s2+$0x0], $0xffff;
	v34 =	vor.u32 v19, v10;
	[tilespmem:s19+$0xFFFFB0A0] =	vst v31;
	v10 =	vadd.s32 v3, v14  }
0x13d: {  	v12 =	vor.u32 v20, v11;
	v13 =	vor.u32 v21, v35;
	v31 =	vld.idx.msk [tilespmem:v36+s2+$0x0], $0xffff;
	[tilespmem:s19+$0xFFFFB0C0] =	vst v39  }
0x13e: {  	v17 =	vor.u32 v18, v42;
	v20 =	vor.u32 v22, v8;
	v11 =	vld.idx.msk [tilespmem:v44+s2+$0x0], $0xffff;
	[tilespmem:s19+$0xFFFFB0E0] =	vst v32  }
0x13f: {  	v14 =	vadd.s32 v3, v24;
	v19 =	vadd.s32 v3, v28;
	[tilespmem:s19+$0xFFFFD790] =	vst v40;
	v8 =	vld.idx.msk [tilespmem:v46+s2+$0x0], $0xffff  }
0x140: {  	v18 =	vadd.s32 v3, v25;
	v22 =	vadd.s32 v3, v29;
	v21 =	vld.idx.msk [tilespmem:v45+s2+$0x0], $0xffff;
	[tilespmem:s19+$0xFFFFFFF0] =	vst v15  }
0x141: {  	v28 =	vadd.s32 v3, v26;
	v24 =	vadd.s32 v3, v30;
	[tilespmem:s19+$0xFFFFD7B0] =	vst v23;
	v10 =	vld.idx.msk [tilespmem:v10+s2+$0x0], $0xffff  }
0x142: {  	v25 =	vadd.s32 v3, v27;
	v15 =	vld.idx.msk [tilespmem:v48+s2+$0x0], $0xffff;
	[tilespmem:s19+$0xFFFFD7D0] =	vst v9  }
0x143: {  	v23 =	vld.idx.msk [tilespmem:v53+s2+$0x0], $0xffff;
	[tilespmem:s19+$0xFFFFD7F0] =	vst v31  }
0x144: {  	v26 =	vld.idx.msk [tilespmem:v38+s2+$0x0], $0xffff;
	[tilespmem:s19+$0xFFFFD810] =	vst v11  }
0x145: {  	v27 =	vld.idx.msk [tilespmem:v51+s2+$0x0], $0xffff;
	[tilespmem:s19+$0xFFFFD830] =	vst v8  }
0x146: {  	v8 =	vld.idx.msk [tilespmem:v37+s2+$0x0], $0xffff;
	[tilespmem:s19+$0xFFFFD850] =	vst v21  }
.Ltmp3:
0x147: {  	v9 =	vld.idx.msk [tilespmem:v41+s2+$0x0], $0xffff;
	[tilespmem:s19+$0x0] =	vst v10;
	(pc) =	sbr.rel @p1 .LBB2_9-.Ltmp3, $4  }
0x148: {  	[tilespmem:s19+$0xFFFFD7A0] =	vst v15;
	v10 =	vld.idx.msk [tilespmem:v33+s2+$0x0], $0xffff  }
0x149: {  	v11 =	vld.idx.msk [tilespmem:v16+s2+$0x0], $0xffff;
	[tilespmem:s19+$0xFFFFD7C0] =	vst v23  }
0x14a: {  	v15 =	vld.idx.msk [tilespmem:v43+s2+$0x0], $0xffff;
	[tilespmem:s19+$0xFFFFD7E0] =	vst v26  }
0x14b: {  	s22 =	sadd.s32 $0x80, s22;
	v16 =	vld.idx.msk [tilespmem:v34+s2+$0x0], $0xffff;
	[tilespmem:s19+$0xFFFFD800] =	vst v27  }
0x14c: {  	[tilespmem:s19+$0xFFFFD820] =	vst v8  }
0x14d: {  	[tilespmem:s19+$0xFFFFD840] =	vst v9  }
0x14e: {  	[tilespmem:s18+$0xFFFFFF80] =	vst v4  }
0x14f: {  	[tilespmem:s18+$0xFFFFFFA0] =	vst v5  }
0x150: {  	[tilespmem:s18+$0xFFFFFFC0] =	vst v6  }
0x151: {  	v8 =	vld.idx.msk [tilespmem:v12+s2+$0x0], $0xffff;
	[tilespmem:s18+$0xFFFFFFE0] =	vst v7  }
0x152: {  	[tilespmem:s19+$0xFFFFD860] =	vst v10;
	v4 =	vld.idx.msk [tilespmem:v13+s2+$0x0], $0xffff  }
0x153: {  	v5 =	vld.idx.msk [tilespmem:v17+s2+$0x0], $0xffff;
	[tilespmem:s19+$0xFFFFFF10] =	vst v11  }
0x154: {  	v6 =	vld.idx.msk [tilespmem:v20+s2+$0x0], $0xffff;
	[tilespmem:s19+$0xFFFFFF30] =	vst v15  }
0x155: {  	v7 =	vld.idx.msk [tilespmem:v14+s2+$0x0], $0xffff;
	[tilespmem:s19+$0xFFFFFF50] =	vst v16  }
0x156: {  	v9 =	vld.idx.msk [tilespmem:v19+s2+$0x0], $0xffff;
	[tilespmem:s19+$0xFFFFFF70] =	vst v8  }
0x157: {  	v8 =	vld.idx.msk [tilespmem:v18+s2+$0x0], $0xffff;
	[tilespmem:s19+$0xFFFFFF90] =	vst v4  }
0x158: {  	v4 =	vld.idx.msk [tilespmem:v22+s2+$0x0], $0xffff;
	[tilespmem:s19+$0xFFFFFFB0] =	vst v5  }
0x159: {  	v5 =	vld.idx.msk [tilespmem:v28+s2+$0x0], $0xffff;
	[tilespmem:s19+$0xFFFFFFD0] =	vst v6  }
0x15a: {  	v6 =	vld.idx.msk [tilespmem:v24+s2+$0x0], $0xffff;
	[tilespmem:s19+$0xFFFFFF20] =	vst v7  }
0x15b: {  	v7 =	vld.idx.msk [tilespmem:v25+s2+$0x0], $0xffff;
	[tilespmem:s19+$0xFFFFFF40] =	vst v9  }
0x15c: {  	[tilespmem:s19+$0xFFFFFF60] =	vst v8  }
0x15d: {  	[tilespmem:s19+$0xFFFFFF80] =	vst v4  }
0x15e: {  	[tilespmem:s19+$0xFFFFFFA0] =	vst v5  }
0x15f: {  	[tilespmem:s19+$0xFFFFFFC0] =	vst v6  }
0x160: {  	[tilespmem:s19+$0xFFFFFFE0] =	vst v7  }
0x161: {  	v4 =	vld [tilespmem:$0x8290];
	_ =	sdelay $0x4  }
0x162: {  	v0 =	vadd.s32 v0, v4;
	_ =	sdelay $0x4  }
0x163: {  	v0 =	vld.idx.msk [tilespmem:v0+s2+$0x0], $0xffff  }
0x164: {  	v1 =	vadd.s32 v1, v4;
	_ =	sdelay $0x3  }
0x165: {  	[tilespmem:$0xBD20] =	vst v0  }
0x166: {  	v0 =	vld.idx.msk [tilespmem:v1+s2+$0x0], $0xffff  }
0x167: {  	v1 =	vadd.s32 v2, v4;
	_ =	sdelay $0x3  }
0x168: {  	[tilespmem:$0xE4A0] =	vst v0  }
0x169: {  	v0 =	vld.idx.msk [tilespmem:v1+s2+$0x0], $0xffff  }
0x16a: {  	v1 =	vadd.s32 v3, v4;
	_ =	sdelay $0x3  }
0x16b: {  	[tilespmem:$0x10C20] =	vst v0  }
0x16c: {  	v0 =	vld.idx.msk [tilespmem:v1+s2+$0x0], $0xffff;
	_ =	sdelay $0x2  }
0x16d: {  	s24 =	smul.u32 $0x4F0, s20;
	_ =	sdelay $0x1  }
0x16e: {  	s18 =	sadd.s32 s1, s24;
	[tilespmem:$0x133A0] =	vst v0  }
0x16f: {  	[hbm4b:s18+s2] =	stream.linear.scatter [tilespmem:s10], [sflag:$0x1], $0x9E00, $0x38;
	[tilespmem:$0x1D220] =	vst v63  }
0x170: {  	s18 =	simm.s32 @!p0 $0x2  }
0x171: {  	_ =	swait.ge @!p0 [sflag:s18], $0x9E00  }
0x172: {  	[sflag:s18] =	ssyncset.done @!p0 $0x0  }
0x173: {  	s25 =	simm.s32 $0x6F50;
	[sflag:s18] =	ssyncadd.s32 @!p0 $0xFFFF6200  }
0x174: {  	v2 =	vld [tilespmem:s25+$0x30]  }
0x175: {  	v3 =	vld [tilespmem:s25+$0xFFFFFFD0]  }
0x176: {  	v17 =	vld [tilespmem:s25+$0xFFFFFFE0]  }
0x177: {  	s26 =	sor.u32 $0x1, s16;
	v19 =	vld [tilespmem:s25+$0x0]  }
0x178: {  	s28 =	smul.u32 $0x480, s26;
	v15 =	vld [tilespmem:s25+$0xFFFFFFC0];
	_ =	sdelay $0x1  }
0x179: {  	v0 =	vmov s28  }
0x17a: {  	v27 =	vand.u32 $0xFFFF, v2;
	v26 =	vand.u32 $0x7, v2;
	v12 =	vand.u32 $0xFFFF, v3  }
0x17b: {  	v8 =	vand.u32 $0x7, v3;
	v11 =	vand.u32 $0xFFFF, v17;
	v5 =	vand.u32 $0xFFFF, v19  }
0x17c: {  	v24 =	vand.u32 $0xFFFF, v15;
	v25 =	vshra.s32 v2, $0x10;
	v1 =	vadd.s32 v0, v27  }
0x17d: {  	v23 =	vand.u32 $0x7, v15;
	v21 =	vand.u32 $0x7, v17;
	v4 =	vand.u32 $0x1FFF8, v1  }
0x17e: {  	v18 =	vld [tilespmem:s25+$0xFFFFFFF0];
	v17 =	vshra.s32 v17, $0x10;
	v6 =	vadd.s32 v0, v12;
	v7 =	vor.u32 v26, v4  }
0x17f: {  	v20 =	vld [tilespmem:s25+$0x10];
	v9 =	vadd.s32 v0, v11;
	v14 =	vadd.s32 v0, v5;
	v13 =	vand.u32 $0x1FFF8, v6  }
0x180: {  	v16 =	vadd.s32 v0, v24;
	v9 =	vand.u32 $0x1FFF8, v9;
	v31 =	vor.u32 v8, v13  }
0x181: {  	v22 =	vld [tilespmem:s25+$0x20];
	v13 =	vand.u32 $0x1FFF8, v14;
	v32 =	vor.u32 v21, v9;
	v9 =	vand.u32 $0x7, v19  }
0x182: {  	s29 =	sadd.s32 $0x120, s28;
	v59 =	vadd.s32 v0, v17;
	v2 =	vand.u32 $0x1FFF8, v16;
	v33 =	vor.u32 v9, v13  }
0x183: {  	v1 =	vmov s29;
	v4 =	vand.u32 $0xFFFF, v18;
	v2 =	vor.u32 v23, v2;
	v56 =	vld.idx.msk [tilespmem:v7+s2+$0x0], $0xffff  }
0x184: {  	v6 =	vand.u32 $0xFFFF, v20;
	v16 =	vadd.s32 v0, v25;
	v10 =	vadd.s32 v0, v4  }
0x185: {  	v14 =	vadd.s32 v1, v27;
	v30 =	vand.u32 $0x1FFF8, v10;
	v10 =	vand.u32 $0x7, v18  }
0x186: {  	v19 =	vshra.s32 v19, $0x10;
	v30 =	vor.u32 v10, v30;
	v7 =	vand.u32 $0xFFFF, v22;
	v32 =	vld.idx.msk [tilespmem:v32+s2+$0x0], $0xffff  }
0x187: {  	s16 =	simm.s32 $0x1AB90;
	v14 =	vand.u32 $0x1FFF8, v14;
	v39 =	vadd.s32 v0, v19;
	v57 =	vadd.s32 v0, v7;
	v33 =	vld.idx.msk [tilespmem:v33+s2+$0x0], $0xffff  }
0x188: {  	v58 =	vor.u32 v26, v14;
	v14 =	vand.u32 $0x7, v22;
	v2 =	vld.idx.msk [tilespmem:v2+s2+$0x0], $0xffff;
	v28 =	vand.u32 $0x1FFF8, v57;
	[tilespmem:s16+$0xFFFF8970] =	vst v56  }
0x189: {  	v29 =	vadd.s32 v0, v6;
	v28 =	vor.u32 v14, v28;
	v34 =	vld.idx.msk [tilespmem:v16+s2+$0x0], $0xffff  }
0x18a: {  	v15 =	vshra.s32 v15, $0x10;
	v13 =	vand.u32 $0x7, v20;
	v31 =	vld.idx.msk [tilespmem:v31+s2+$0x0], $0xffff;
	v16 =	vand.u32 $0x1FFF8, v29  }
0x18b: {  	v30 =	vld.idx.msk [tilespmem:v30+s2+$0x0], $0xffff;
	[tilespmem:s16+$0xFFFF88D0] =	vst v32;
	v35 =	vor.u32 v13, v16;
	v16 =	vshra.s32 v3, $0x10;
	v3 =	vadd.s32 v0, v15  }
0x18c: {  	v18 =	vshra.s32 v18, $0x10;
	v63 =	vld.idx.msk [tilespmem:v59+s2+$0x0], $0xffff;
	[tilespmem:s16+$0xFFFF8910] =	vst v33  }
0x18d: {  	v51 =	vadd.s32 v1, v5;
	v37 =	vadd.s32 v0, v18;
	[tilespmem:s16+$0xFFFF8890] =	vst v2;
	v50 =	vld.idx.msk [tilespmem:v39+s2+$0x0], $0xffff  }
0x18e: {  	v39 =	vand.u32 $0x1FFF8, v51;
	v36 =	vadd.s32 v0, v16;
	v28 =	vld.idx.msk [tilespmem:v28+s2+$0x0], $0xffff;
	[tilespmem:s16+$0xFFFF8980] =	vst v34  }
0x18f: {  	v22 =	vshra.s32 v22, $0x10;
	[tilespmem:s16+$0xFFFF88B0] =	vst v31;
	v39 =	vor.u32 v9, v39;
	v29 =	vld.idx.msk [tilespmem:v58+s2+$0x0], $0xffff  }
0x190: {  	v41 =	vadd.s32 v0, v22;
	[tilespmem:s16+$0xFFFF88F0] =	vst v30;
	v3 =	vld.idx.msk [tilespmem:v3+s2+$0x0], $0xffff  }
0x191: {  	v38 =	vadd.s32 v1, v25;
	[tilespmem:s16+$0xFFFF88E0] =	vst v63;
	v35 =	vld.idx.msk [tilespmem:v35+s2+$0x0], $0xffff  }
0x192: {  	v40 =	vadd.s32 v1, v24;
	v62 =	vadd.s32 v1, v12;
	v20 =	vshra.s32 v20, $0x10;
	v37 =	vld.idx.msk [tilespmem:v37+s2+$0x0], $0xffff;
	[tilespmem:s16+$0xFFFF8920] =	vst v50  }
0x193: {  	s30 =	sadd.s32 $0x240, s28;
	v44 =	vadd.s32 v1, v11;
	v40 =	vand.u32 $0x1FFF8, v40;
	v60 =	vadd.s32 v0, v20;
	v61 =	vld.idx.msk [tilespmem:v36+s2+$0x0], $0xffff;
	[tilespmem:s16+$0xFFFF8950] =	vst v28  }
0x194: {  	v40 =	vor.u32 v23, v40;
	v2 =	vmov s30;
	v36 =	vand.u32 $0x1FFF8, v62;
	v63 =	vld.idx.msk [tilespmem:v39+s2+$0x0], $0xffff;
	[tilespmem:s16+$0xFFFFB0F0] =	vst v29  }
0x195: {  	s31 =	simm.s32 $0x6FD0;
	v45 =	vand.u32 $0x1FFF8, v44;
	v48 =	vadd.s32 v2, v27;
	v46 =	vor.u32 v8, v36;
	[tilespmem:s16+$0xFFFF88A0] =	vst v3;
	v3 =	vld.idx.msk [tilespmem:v41+s2+$0x0], $0xffff  }
0x196: {  	v55 =	vadd.s32 v1, v7;
	v36 =	vand.u32 $0x1FFF8, v48;
	v48 =	vadd.s32 v1, v19;
	[tilespmem:s16+$0xFFFF8930] =	vst v35;
	v35 =	vld [tilespmem:s31+$0x0]  }
0x197: {  	v57 =	vand.u32 $0x1FFF8, v55;
	v29 =	vor.u32 v21, v45;
	v47 =	vld.idx.msk [tilespmem:v38+s2+$0x0], $0xffff  }
0x198: {  	v49 =	vadd.s32 v1, v4;
	v59 =	vor.u32 v14, v57;
	v52 =	vld.idx.msk [tilespmem:v60+s2+$0x0], $0xffff  }
0x199: {  	v54 =	vadd.s32 v1, v6;
	v53 =	vor.u32 v26, v36;
	v38 =	vand.u32 $0x1FFF8, v49;
	[tilespmem:s16+$0xFFFF88C0] =	vst v61;
	v56 =	vld.idx.msk [tilespmem:v40+s2+$0x0], $0xffff  }
0x19a: {  	v36 =	vand.u32 $0x1FFF8, v54;
	[tilespmem:s16+$0xFFFFB090] =	vst v63;
	v38 =	vor.u32 v10, v38;
	v58 =	vld.idx.msk [tilespmem:v46+s2+$0x0], $0xffff  }
0x19b: {  	v36 =	vor.u32 v13, v36;
	v34 =	vld.idx.msk [tilespmem:v48+s2+$0x0], $0xffff  }
0x19c: {  	v60 =	vadd.s32 v1, v15;
	v29 =	vld.idx.msk [tilespmem:v29+s2+$0x0], $0xffff;
	[tilespmem:s16+$0xFFFF8960] =	vst v3  }
0x19d: {  	v61 =	vadd.s32 v1, v16;
	[tilespmem:s16+$0xFFFFB100] =	vst v47;
	v47 =	vld.idx.msk [tilespmem:v59+s2+$0x0], $0xffff  }
0x19e: {  	[tilespmem:s16+$0xFFFF8900] =	vst v37;
	v31 =	vld.idx.msk [tilespmem:v53+s2+$0x0], $0xffff  }
0x19f: {  	v45 =	vadd.s32 v1, v17;
	[tilespmem:s16+$0xFFFF8940] =	vst v52;
	v62 =	vld.idx.msk [tilespmem:v38+s2+$0x0], $0xffff  }
0x1a0: {  	[tilespmem:s16+$0xFFFFB010] =	vst v56;
	v52 =	vadd.s32 v1, v22;
	v36 =	vld.idx.msk [tilespmem:v36+s2+$0x0], $0xffff  }
0x1a1: {  	v44 =	vadd.s32 v2, v25;
	[tilespmem:s16+$0xFFFFB030] =	vst v58;
	v49 =	vld.idx.msk [tilespmem:v60+s2+$0x0], $0xffff  }
0x1a2: {  	v51 =	vadd.s32 v2, v24;
	v46 =	vadd.s32 v1, v18;
	v60 =	vadd.s32 v2, v6;
	v37 =	vld.idx.msk [tilespmem:v61+s2+$0x0], $0xffff  }
0x1a3: {  	v50 =	vadd.s32 v1, v20;
	v41 =	vand.u32 $0x1FFF8, v51;
	v33 =	vand.u32 $0x1FFF8, v60;
	v60 =	vld [tilespmem:s31+$0xFFFFFFD0];
	[tilespmem:s16+$0xFFFFB050] =	vst v29  }
0x1a4: {  	v41 =	vor.u32 v23, v41;
	v55 =	vld.idx.msk [tilespmem:v45+s2+$0x0], $0xffff;
	[tilespmem:s16+$0xFFFFB0D0] =	vst v47  }
0x1a5: {  	v54 =	vadd.s32 v2, v12;
	[tilespmem:s16+$0xFFFFD870] =	vst v31;
	v61 =	vld.idx.msk [tilespmem:v52+s2+$0x0], $0xffff  }
0x1a6: {  	v56 =	vadd.s32 v2, v11;
	v38 =	vand.u32 $0x1FFF8, v54;
	[tilespmem:s16+$0xFFFFB070] =	vst v62;
	v53 =	vld.idx.msk [tilespmem:v44+s2+$0x0], $0xffff  }
0x1a7: {  	v39 =	vand.u32 $0x1FFF8, v56;
	v38 =	vor.u32 v8, v38;
	[tilespmem:s16+$0xFFFFB0B0] =	vst v36;
	v57 =	vld.idx.msk [tilespmem:v46+s2+$0x0], $0xffff  }
0x1a8: {  	v58 =	vadd.s32 v2, v5;
	v39 =	vor.u32 v21, v39;
	[tilespmem:s16+$0xFFFFB020] =	vst v49;
	v59 =	vld.idx.msk [tilespmem:v50+s2+$0x0], $0xffff  }
0x1a9: {  	s18 =	sadd.s32 $0x360, s28;
	v36 =	vand.u32 $0x1FFF8, v58;
	v62 =	vadd.s32 v2, v7;
	v63 =	vld.idx.msk [tilespmem:v41+s2+$0x0], $0xffff  }
0x1aa: {  	v3 =	vmov s18;
	v36 =	vor.u32 v9, v36;
	v44 =	vand.u32 $0x1FFF8, v62;
	v62 =	vld [tilespmem:s31+$0xFFFFFFF0]  }
0x1ab: {  	v27 =	vadd.s32 v3, v27;
	[tilespmem:s16+$0xFFFFB040] =	vst v37;
	v37 =	vld [tilespmem:s31+$0x20]  }
0x1ac: {  	v27 =	vand.u32 $0x1FFF8, v27;
	v46 =	vld.idx.msk [tilespmem:v38+s2+$0x0], $0xffff;
	[tilespmem:s16+$0xFFFFB060] =	vst v55  }
0x1ad: {  	[tilespmem:s16+$0xFFFFB0A0] =	vst v34;
	v26 =	vor.u32 v26, v27;
	v27 =	vadd.s32 v2, v4;
	v47 =	vld.idx.msk [tilespmem:v39+s2+$0x0], $0xffff  }
0x1ae: {  	v27 =	vand.u32 $0x1FFF8, v27;
	[tilespmem:s16+$0xFFFFB0E0] =	vst v61;
	v61 =	vld [tilespmem:s31+$0xFFFFFFE0]  }
0x1af: {  	v27 =	vor.u32 v10, v27;
	v50 =	vld.idx.msk [tilespmem:v36+s2+$0x0], $0xffff  }
0x1b0: {  	v45 =	vor.u32 v13, v33;
	[tilespmem:s16+$0xFFFFB0C0] =	vst v59;
	v59 =	vld [tilespmem:s31+$0x30]  }
0x1b1: {  	v29 =	vor.u32 v14, v44;
	[tilespmem:s16+$0xFFFFD880] =	vst v53;
	v36 =	vld [tilespmem:s31+$0x10]  }
0x1b2: {  	v48 =	vadd.s32 v2, v15;
	[tilespmem:s16+$0xFFFFD790] =	vst v63;
	v63 =	vld [tilespmem:s31+$0xFFFFFFC0]  }
0x1b3: {  	v49 =	vadd.s32 v2, v16;
	[tilespmem:s16+$0xFFFFB080] =	vst v57;
	v26 =	vld.idx.msk [tilespmem:v26+s2+$0x0], $0xffff  }
0x1b4: {  	v51 =	vadd.s32 v2, v17;
	v27 =	vld.idx.msk [tilespmem:v27+s2+$0x0], $0xffff  }
0x1b5: {  	v25 =	vadd.s32 v3, v25;
	v24 =	vadd.s32 v3, v24;
	v52 =	vld.idx.msk [tilespmem:v45+s2+$0x0], $0xffff  }
0x1b6: {  	v12 =	vadd.s32 v3, v12;
	v53 =	vadd.s32 v2, v18;
	v29 =	vld.idx.msk [tilespmem:v29+s2+$0x0], $0xffff;
	[tilespmem:s16+$0xFFFFD7B0] =	vst v46  }
0x1b7: {  	v11 =	vadd.s32 v3, v11;
	v54 =	vadd.s32 v2, v20;
	v55 =	vld.idx.msk [tilespmem:v48+s2+$0x0], $0xffff;
	[tilespmem:s16+$0xFFFFD7D0] =	vst v47  }
0x1b8: {  	v56 =	vadd.s32 v2, v22;
	v24 =	vand.u32 $0x1FFF8, v24;
	v5 =	vadd.s32 v3, v5;
	v57 =	vld.idx.msk [tilespmem:v49+s2+$0x0], $0xffff;
	[tilespmem:s16+$0xFFFFD810] =	vst v50  }
0x1b9: {  	v12 =	vand.u32 $0x1FFF8, v12;
	v6 =	vadd.s32 v3, v6;
	v23 =	vor.u32 v23, v24;
	v24 =	vld.idx.msk [tilespmem:v51+s2+$0x0], $0xffff;
	[tilespmem:s16+$0xFFFFFFF0] =	vst v26  }
0x1ba: {  	v20 =	vadd.s32 v3, v20;
	v8 =	vor.u32 v8, v12;
	[tilespmem:s16+$0xFFFFD7F0] =	vst v27;
	v25 =	vld.idx.msk [tilespmem:v25+s2+$0x0], $0xffff  }
0x1bb: {  	v11 =	vand.u32 $0x1FFF8, v11;
	v4 =	vadd.s32 v3, v4;
	v26 =	vadd.s32 v2, v19;
	[tilespmem:s16+$0xFFFFD830] =	vst v52;
	v12 =	vld.idx.msk [tilespmem:v53+s2+$0x0], $0xffff  }
0x1bc: {  	v11 =	vor.u32 v21, v11;
	v5 =	vand.u32 $0x1FFF8, v5;
	v4 =	vand.u32 $0x1FFF8, v4;
	[tilespmem:s16+$0xFFFFD850] =	vst v29;
	v27 =	vld.idx.msk [tilespmem:v54+s2+$0x0], $0xffff  }
0x1bd: {  	v6 =	vand.u32 $0x1FFF8, v6;
	v4 =	vor.u32 v10, v4;
	v7 =	vadd.s32 v3, v7;
	[tilespmem:s16+$0xFFFFD7A0] =	vst v55;
	v29 =	vld.idx.msk [tilespmem:v56+s2+$0x0], $0xffff  }
0x1be: {  	v5 =	vor.u32 v9, v5;
	v6 =	vor.u32 v13, v6;
	v7 =	vand.u32 $0x1FFF8, v7;
	v23 =	vld.idx.msk [tilespmem:v23+s2+$0x0], $0xffff;
	[tilespmem:s16+$0xFFFFD7C0] =	vst v57  }
0x1bf: {  	v13 =	vadd.s32 v3, v15;
	v7 =	vor.u32 v14, v7;
	v58 =	vld.idx.msk [tilespmem:v8+s2+$0x0], $0xffff;
	[tilespmem:s16+$0xFFFFD7E0] =	vst v24  }
0x1c0: {  	v15 =	vadd.s32 v3, v17;
	v14 =	vadd.s32 v3, v16;
	v28 =	vand.u32 $0xFFFF, v59;
	v21 =	vld.idx.msk [tilespmem:v26+s2+$0x0], $0xffff;
	[tilespmem:s16+$0xFFFFD800] =	vst v12  }
0x1c1: {  	v10 =	vand.u32 $0xFFFF, v60;
	v16 =	vadd.s32 v3, v18;
	v8 =	vadd.s32 v0, v28;
	v24 =	vld.idx.msk [tilespmem:v11+s2+$0x0], $0xffff;
	[tilespmem:s16+$0xFFFFD840] =	vst v27  }
0x1c2: {  	v18 =	vadd.s32 v3, v19;
	v8 =	vand.u32 $0x1FFF8, v8;
	v26 =	vand.u32 $0x7, v59;
	[tilespmem:s16+$0xFFFFD860] =	vst v29;
	v4 =	vld.idx.msk [tilespmem:v4+s2+$0x0], $0xffff  }
0x1c3: {  	v19 =	vadd.s32 v0, v10;
	v17 =	vor.u32 v26, v8;
	[tilespmem:s16+$0xFFFFFF10] =	vst v23;
	v6 =	vld.idx.msk [tilespmem:v6+s2+$0x0], $0xffff  }
0x1c4: {  	v11 =	vand.u32 $0xFFFF, v62;
	v8 =	vand.u32 $0x7, v60;
	v27 =	vand.u32 $0x1FFF8, v19;
	v7 =	vld.idx.msk [tilespmem:v7+s2+$0x0], $0xffff;
	[tilespmem:s16+$0xFFFFFF30] =	vst v58  }
0x1c5: {  	v9 =	vand.u32 $0xFFFF, v61;
	v23 =	vadd.s32 v0, v11;
	v48 =	vld.idx.msk [tilespmem:v13+s2+$0x0], $0xffff;
	v27 =	vor.u32 v8, v27;
	[tilespmem:s16+$0xFFFFD820] =	vst v21  }
0x1c6: {  	v12 =	vand.u32 $0xFFFF, v35;
	v19 =	vand.u32 $0xFFFF, v63;
	v29 =	vshra.s32 v59, $0x10;
	[tilespmem:s16+$0xFFFFFF50] =	vst v24;
	v24 =	vld.idx.msk [tilespmem:v14+s2+$0x0], $0xffff  }
0x1c7: {  	v49 =	vadd.s32 v0, v12;
	v13 =	vand.u32 $0xFFFF, v36;
	v52 =	vadd.s32 v0, v29;
	v5 =	vld.idx.msk [tilespmem:v5+s2+$0x0], $0xffff  }
0x1c8: {  	v23 =	vand.u32 $0x1FFF8, v23;
	v43 =	vadd.s32 v0, v13;
	v21 =	vadd.s32 v3, v22;
	v50 =	vld.idx.msk [tilespmem:v17+s2+$0x0], $0xffff  }
0x1c9: {  	v22 =	vadd.s32 v0, v9;
	v14 =	vand.u32 $0x7, v63;
	v17 =	vadd.s32 v0, v19;
	v42 =	vld.idx.msk [tilespmem:v15+s2+$0x0], $0xffff;
	[tilespmem:s16+$0xFFFFFF70] =	vst v4  }
0x1ca: {  	v22 =	vand.u32 $0x1FFF8, v22;
	v15 =	vand.u32 $0x7, v61;
	v51 =	vand.u32 $0x1FFF8, v17;
	[tilespmem:s16+$0xFFFFFFB0] =	vst v6;
	v27 =	vld.idx.msk [tilespmem:v27+s2+$0x0], $0xffff  }
0x1cb: {  	v17 =	vand.u32 $0xFFFF, v37;
	[tilespmem:s16+$0xFFFFFFD0] =	vst v7;
	v44 =	vor.u32 v15, v22;
	v4 =	vld.idx.msk [tilespmem:v16+s2+$0x0], $0xffff;
	v16 =	vand.u32 $0x7, v62  }
0x1cc: {  	v31 =	vor.u32 v14, v51;
	v6 =	vld.idx.msk [tilespmem:v20+s2+$0x0], $0xffff;
	v20 =	vadd.s32 v1, v28;
	v45 =	vor.u32 v16, v23  }
0x1cd: {  	s18 =	simm.s32 $0x1AC90;
	v22 =	vand.u32 $0x1FFF8, v20;
	v23 =	vand.u32 $0x1FFF8, v43;
	v20 =	vand.u32 $0x7, v36;
	v7 =	vld.idx.msk [tilespmem:v21+s2+$0x0], $0xffff;
	[tilespmem:s16+$0xFFFFFF90] =	vst v5  }
0x1ce: {  	v21 =	vadd.s32 v0, v17;
	v43 =	vor.u32 v20, v23;
	v23 =	vshra.s32 v60, $0x10;
	[tilespmem:s18+$0xFFFF8970] =	vst v50;
	v5 =	vld.idx.msk [tilespmem:v18+s2+$0x0], $0xffff  }
0x1cf: {  	[tilespmem:s16+$0x0] =	vst v25;
	v25 =	vand.u32 $0x1FFF8, v21;
	v21 =	vand.u32 $0x7, v37;
	v58 =	vadd.s32 v0, v23;
	v40 =	vld.idx.msk [tilespmem:v52+s2+$0x0], $0xffff  }
0x1d0: {  	v30 =	vand.u32 $0x1FFF8, v49;
	v18 =	vand.u32 $0x7, v35;
	v54 =	vor.u32 v21, v25;
	v55 =	vld.idx.msk [tilespmem:v44+s2+$0x0], $0xffff  }
0x1d1: {  	[tilespmem:s16+$0xFFFFFF20] =	vst v48;
	v30 =	vor.u32 v18, v30;
	v31 =	vld.idx.msk [tilespmem:v31+s2+$0x0], $0xffff  }
0x1d2: {  	v53 =	vor.u32 v26, v22;
	[tilespmem:s16+$0xFFFFFF40] =	vst v24;
	v24 =	vshra.s32 v61, $0x10;
	v57 =	vld.idx.msk [tilespmem:v45+s2+$0x0], $0xffff  }
0x1d3: {  	v22 =	vshra.s32 v63, $0x10;
	v60 =	vadd.s32 v0, v24;
	v25 =	vshra.s32 v62, $0x10;
	[tilespmem:s18+$0xFFFF88B0] =	vst v27;
	v62 =	vld.idx.msk [tilespmem:v43+s2+$0x0], $0xffff  }
0x1d4: {  	v56 =	vadd.s32 v0, v22;
	[tilespmem:s16+$0xFFFFFF60] =	vst v42;
	v33 =	vld.idx.msk [tilespmem:v58+s2+$0x0], $0xffff  }
0x1d5: {  	v27 =	vshra.s32 v36, $0x10;
	v52 =	vadd.s32 v1, v10;
	v61 =	vadd.s32 v0, v25;
	[tilespmem:s18+$0xFFFF8980] =	vst v40;
	v63 =	vld.idx.msk [tilespmem:v54+s2+$0x0], $0xffff  }
0x1d6: {  	v50 =	vadd.s32 v0, v27;
	v43 =	vand.u32 $0x1FFF8, v52;
	[tilespmem:s18+$0xFFFF88D0] =	vst v55;
	v59 =	vld.idx.msk [tilespmem:v30+s2+$0x0], $0xffff  }
0x1d7: {  	v43 =	vor.u32 v8, v43;
	v40 =	vld.idx.msk [tilespmem:v53+s2+$0x0], $0xffff;
	[tilespmem:s18+$0xFFFF8890] =	vst v31  }
0x1d8: {  	v48 =	vadd.s32 v1, v29;
	v30 =	vshra.s32 v35, $0x10;
	v34 =	vld.idx.msk [tilespmem:v60+s2+$0x0], $0xffff;
	[tilespmem:s18+$0xFFFF88F0] =	vst v57  }
0x1d9: {  	v51 =	vadd.s32 v1, v19;
	v31 =	vshra.s32 v37, $0x10;
	v49 =	vadd.s32 v0, v30;
	v32 =	vld.idx.msk [tilespmem:v56+s2+$0x0], $0xffff;
	[tilespmem:s18+$0xFFFF8930] =	vst v62  }
0x1da: {  	v39 =	vand.u32 $0x1FFF8, v51;
	v53 =	vadd.s32 v0, v31;
	v57 =	vadd.s32 v1, v11;
	v41 =	vld.idx.msk [tilespmem:v61+s2+$0x0], $0xffff;
	[tilespmem:s18+$0xFFFF88C0] =	vst v33  }
0x1db: {  	v39 =	vor.u32 v14, v39;
	v45 =	vand.u32 $0x1FFF8, v57;
	v61 =	vadd.s32 v1, v13;
	v60 =	vld.idx.msk [tilespmem:v50+s2+$0x0], $0xffff;
	[tilespmem:s18+$0xFFFF8950] =	vst v63  }
0x1dc: {  	v54 =	vadd.s32 v1, v9;
	v45 =	vor.u32 v16, v45;
	v37 =	vand.u32 $0x1FFF8, v61;
	v43 =	vld.idx.msk [tilespmem:v43+s2+$0x0], $0xffff;
	[tilespmem:s18+$0xFFFFB0F0] =	vst v40  }
0x1dd: {  	v55 =	vand.u32 $0x1FFF8, v54;
	v37 =	vor.u32 v20, v37;
	[tilespmem:s18+$0xFFFF8910] =	vst v59;
	v38 =	vld.idx.msk [tilespmem:v48+s2+$0x0], $0xffff  }
0x1de: {  	v56 =	vadd.s32 v2, v28;
	v40 =	vor.u32 v15, v55;
	[tilespmem:s18+$0xFFFF88E0] =	vst v34;
	v36 =	vld.idx.msk [tilespmem:v49+s2+$0x0], $0xffff  }
0x1df: {  	v58 =	vand.u32 $0x1FFF8, v56;
	v50 =	vadd.s32 v1, v23;
	v59 =	vadd.s32 v1, v12;
	[tilespmem:s18+$0xFFFF88A0] =	vst v32;
	v62 =	vld.idx.msk [tilespmem:v53+s2+$0x0], $0xffff  }
0x1e0: {  	v35 =	vor.u32 v26, v58;
	v63 =	vadd.s32 v1, v17;
	v42 =	vand.u32 $0x1FFF8, v59;
	v39 =	vld.idx.msk [tilespmem:v39+s2+$0x0], $0xffff;
	[tilespmem:s18+$0xFFFF8900] =	vst v41  }
0x1e1: {  	v48 =	vand.u32 $0x1FFF8, v63;
	v42 =	vor.u32 v18, v42;
	v41 =	vld.idx.msk [tilespmem:v45+s2+$0x0], $0xffff;
	[tilespmem:s18+$0xFFFF8940] =	vst v60  }
0x1e2: {  	v34 =	vor.u32 v21, v48;
	v37 =	vld.idx.msk [tilespmem:v37+s2+$0x0], $0xffff;
	[tilespmem:s18+$0xFFFFB030] =	vst v43  }
0x1e3: {  	v49 =	vadd.s32 v1, v22;
	v40 =	vld.idx.msk [tilespmem:v40+s2+$0x0], $0xffff;
	[tilespmem:s18+$0xFFFFB100] =	vst v38  }
0x1e4: {  	v54 =	vadd.s32 v1, v25;
	[tilespmem:s18+$0xFFFF8920] =	vst v36;
	v36 =	vld.idx.msk [tilespmem:v50+s2+$0x0], $0xffff  }
0x1e5: {  	v56 =	vadd.s32 v1, v27;
	[tilespmem:s18+$0xFFFF8960] =	vst v62;
	v35 =	vld.idx.msk [tilespmem:v35+s2+$0x0], $0xffff  }
0x1e6: {  	v52 =	vadd.s32 v2, v29;
	v53 =	vadd.s32 v1, v24;
	v51 =	vld.idx.msk [tilespmem:v42+s2+$0x0], $0xffff;
	[tilespmem:s18+$0xFFFFB010] =	vst v39  }
0x1e7: {  	v28 =	vadd.s32 v3, v28;
	v57 =	vadd.s32 v2, v19;
	v34 =	vld.idx.msk [tilespmem:v34+s2+$0x0], $0xffff;
	[tilespmem:s18+$0xFFFFB070] =	vst v41  }
0x1e8: {  	v28 =	vand.u32 $0x1FFF8, v28;
	v58 =	vadd.s32 v1, v31;
	v55 =	vadd.s32 v1, v30;
	v38 =	vld.idx.msk [tilespmem:v49+s2+$0x0], $0xffff;
	[tilespmem:s18+$0xFFFFB0B0] =	vst v37  }
0x1e9: {  	v44 =	vand.u32 $0x1FFF8, v57;
	v26 =	vor.u32 v26, v28;
	v59 =	vadd.s32 v2, v10;
	v39 =	vld.idx.msk [tilespmem:v54+s2+$0x0], $0xffff;
	[tilespmem:s18+$0xFFFFB050] =	vst v40  }
0x1ea: {  	v61 =	vadd.s32 v2, v11;
	v44 =	vor.u32 v14, v44;
	v41 =	vand.u32 $0x1FFF8, v59;
	v46 =	vld.idx.msk [tilespmem:v56+s2+$0x0], $0xffff;
	[tilespmem:s18+$0xFFFFB040] =	vst v36  }
0x1eb: {  	v28 =	vand.u32 $0x1FFF8, v61;
	v60 =	vadd.s32 v2, v9;
	v62 =	vor.u32 v8, v41;
	v42 =	vld.idx.msk [tilespmem:v53+s2+$0x0], $0xffff;
	[tilespmem:s18+$0xFFFFD870] =	vst v35  }
0x1ec: {  	v47 =	vadd.s32 v2, v13;
	v28 =	vor.u32 v16, v28;
	v32 =	vand.u32 $0x1FFF8, v60;
	[tilespmem:s18+$0xFFFFB090] =	vst v51;
	v33 =	vld.idx.msk [tilespmem:v52+s2+$0x0], $0xffff  }
0x1ed: {  	v32 =	vor.u32 v15, v32;
	v40 =	vand.u32 $0x1FFF8, v47;
	[tilespmem:s18+$0xFFFFB0D0] =	vst v34;
	v63 =	vld.idx.msk [tilespmem:v55+s2+$0x0], $0xffff  }
0x1ee: {  	v45 =	vadd.s32 v2, v12;
	v51 =	vor.u32 v20, v40;
	[tilespmem:s18+$0xFFFFB020] =	vst v38;
	v35 =	vld.idx.msk [tilespmem:v58+s2+$0x0], $0xffff  }
0x1ef: {  	v34 =	vand.u32 $0x1FFF8, v45;
	v49 =	vld.idx.msk [tilespmem:v44+s2+$0x0], $0xffff;
	[tilespmem:s18+$0xFFFFB080] =	vst v39  }
0x1f0: {  	v34 =	vor.u32 v18, v34;
	v37 =	vld.idx.msk [tilespmem:v62+s2+$0x0], $0xffff;
	[tilespmem:s18+$0xFFFFB0C0] =	vst v46  }
0x1f1: {  	v52 =	vadd.s32 v2, v22;
	v28 =	vld.idx.msk [tilespmem:v28+s2+$0x0], $0xffff;
	[tilespmem:s18+$0xFFFFB060] =	vst v42  }
0x1f2: {  	v48 =	vadd.s32 v2, v17;
	v53 =	vadd.s32 v2, v23;
	v32 =	vld.idx.msk [tilespmem:v32+s2+$0x0], $0xffff;
	[tilespmem:s18+$0xFFFFD880] =	vst v33  }
0x1f3: {  	v50 =	vand.u32 $0x1FFF8, v48;
	v55 =	vadd.s32 v2, v25;
	v36 =	vld.idx.msk [tilespmem:v51+s2+$0x0], $0xffff;
	[tilespmem:s18+$0xFFFFB0A0] =	vst v63  }
0x1f4: {  	v29 =	vadd.s32 v3, v29;
	v33 =	vor.u32 v21, v50;
	[tilespmem:s18+$0xFFFFB0E0] =	vst v35;
	v26 =	vld.idx.msk [tilespmem:v26+s2+$0x0], $0xffff  }
0x1f5: {  	v19 =	vadd.s32 v3, v19;
	v54 =	vadd.s32 v2, v24;
	v34 =	vld.idx.msk [tilespmem:v34+s2+$0x0], $0xffff;
	[tilespmem:s18+$0xFFFFD790] =	vst v49  }
0x1f6: {  	v13 =	vadd.s32 v3, v13;
	v57 =	vadd.s32 v2, v27;
	[tilespmem:s18+$0xFFFFD7B0] =	vst v37;
	v58 =	vld.idx.msk [tilespmem:v52+s2+$0x0], $0xffff  }
0x1f7: {  	v11 =	vadd.s32 v3, v11;
	v10 =	vadd.s32 v3, v10;
	v59 =	vld.idx.msk [tilespmem:v53+s2+$0x0], $0xffff;
	[tilespmem:s18+$0xFFFFD7F0] =	vst v28  }
0x1f8: {  	v19 =	vand.u32 $0x1FFF8, v19;
	v17 =	vadd.s32 v3, v17;
	v56 =	vadd.s32 v2, v30;
	v35 =	vld.idx.msk [tilespmem:v55+s2+$0x0], $0xffff;
	[tilespmem:s18+$0xFFFFD7D0] =	vst v32  }
0x1f9: {  	v10 =	vand.u32 $0x1FFF8, v10;
	v9 =	vadd.s32 v3, v9;
	v60 =	vor.u32 v14, v19;
	[tilespmem:s18+$0xFFFFD830] =	vst v36;
	v33 =	vld.idx.msk [tilespmem:v33+s2+$0x0], $0xffff  }
0x1fa: {  	v12 =	vadd.s32 v3, v12;
	v9 =	vand.u32 $0x1FFF8, v9;
	v61 =	vld.idx.msk [tilespmem:v54+s2+$0x0], $0xffff;
	[tilespmem:s18+$0xFFFFFFF0] =	vst v26;
	v26 =	vadd.s32 v2, v31  }
0x1fb: {  	v11 =	vand.u32 $0x1FFF8, v11;
	v62 =	vor.u32 v8, v10;
	v63 =	vor.u32 v15, v9;
	v9 =	vld.idx.msk [tilespmem:v57+s2+$0x0], $0xffff;
	[tilespmem:s18+$0xFFFFD810] =	vst v34  }
0x1fc: {  	v14 =	vand.u32 $0x1FFF8, v12;
	v12 =	vor.u32 v16, v11;
	v11 =	vand.u32 $0x1FFF8, v17;
	v29 =	vld.idx.msk [tilespmem:v29+s2+$0x0], $0xffff;
	[tilespmem:s18+$0xFFFFD7A0] =	vst v58  }
0x1fd: {  	v19 =	vadd.s32 v3, v23;
	v10 =	vand.u32 $0x1FFF8, v13;
	v13 =	vor.u32 v18, v14;
	v8 =	vld.idx.msk [tilespmem:v56+s2+$0x0], $0xffff;
	[tilespmem:s18+$0xFFFFD7C0] =	vst v59  }
0x1fe: {  	v17 =	vor.u32 v20, v10;
	v20 =	vor.u32 v21, v11;
	v11 =	vld.idx.msk [tilespmem:v60+s2+$0x0], $0xffff;
	[tilespmem:s18+$0xFFFFD850] =	vst v33  }
0x1ff: {  	v14 =	vadd.s32 v3, v22;
	v18 =	vadd.s32 v3, v24;
	[tilespmem:s18+$0xFFFFD800] =	vst v35;
	v10 =	vld.idx.msk [tilespmem:v26+s2+$0x0], $0xffff  }
0x200: {  	s19 =	sshll.u32 s26, $0x2;
	v22 =	vadd.s32 v3, v25;
	v24 =	vadd.s32 v3, v27;
	v15 =	vld.idx.msk [tilespmem:v62+s2+$0x0], $0xffff;
	[tilespmem:s18+$0xFFFFD7E0] =	vst v61  }
0x201: {  	s20 =	simm.s32 $0x7050;
	s17 =	sor.u32 s17, s19;
	s19 =	simm.s32 $0x8;
	v25 =	vadd.s32 v3, v31;
	v26 =	vadd.s32 v3, v30;
	v16 =	vld.idx.msk [tilespmem:v63+s2+$0x0], $0xffff;
	[tilespmem:s18+$0x0] =	vst v29  }
.LBB2_11:
0x202: {  	v21 =	vld [tilespmem:s20+$0x30];
	s19 =	sadd.s32 $0x8, s19;
	[tilespmem:s18+$0xFFFFD820] =	vst v8  }
0x203: {  	v27 =	vld [tilespmem:s20+$0xFFFFFFD0];
	p0 =	slt.u32 s19, $0x130;
	[tilespmem:s18+$0xFFFFD840] =	vst v9  }
0x204: {  	v29 =	vld [tilespmem:s20+$0xFFFFFFE0];
	[tilespmem:s18+$0xFFFFD860] =	vst v10  }
0x205: {  	v30 =	vld [tilespmem:s20+$0xFFFFFFF0];
	[tilespmem:s18+$0xFFFFFF10] =	vst v11  }
0x206: {  	v32 =	vld [tilespmem:s20+$0x0];
	[tilespmem:s18+$0xFFFFFF30] =	vst v15  }
0x207: {  	v33 =	vld [tilespmem:s20+$0x10];
	v15 =	vand.u32 $0xFFFF, v21;
	[tilespmem:s18+$0xFFFFFF50] =	vst v16  }
0x208: {  	v9 =	vand.u32 $0xFFFF, v27;
	v8 =	vand.u32 $0x7, v27;
	v34 =	vld [tilespmem:s20+$0x20];
	v11 =	vadd.s32 v0, v15;
	[tilespmem:s16+$0xFFFFFF80] =	vst v4  }
0x209: {  	v16 =	vand.u32 $0x7, v21;
	v28 =	vld [tilespmem:s20+$0xFFFFFFC0];
	v10 =	vand.u32 $0xFFFF, v29;
	v4 =	vand.u32 $0x1FFF8, v11;
	[tilespmem:s16+$0xFFFFFFA0] =	vst v5  }
0x20a: {  	v5 =	vadd.s32 v0, v9;
	v11 =	vand.u32 $0xFFFF, v30;
	v4 =	vor.u32 v16, v4;
	v23 =	vld.idx.msk [tilespmem:v12+s2+$0x0], $0xffff;
	[tilespmem:s16+$0xFFFFFFC0] =	vst v6  }
0x20b: {  	v6 =	vadd.s32 v0, v10;
	v35 =	vadd.s32 v0, v11;
	v12 =	vand.u32 $0xFFFF, v32;
	v36 =	vld.idx.msk [tilespmem:v13+s2+$0x0], $0xffff;
	[tilespmem:s16+$0xFFFFFFE0] =	vst v7;
	s16 =	smov.u32 s18  }
0x20c: {  	v5 =	vand.u32 $0x1FFF8, v5;
	v7 =	vadd.s32 v0, v12;
	v13 =	vand.u32 $0xFFFF, v33;
	v37 =	vld.idx.msk [tilespmem:v17+s2+$0x0], $0xffff  }
0x20d: {  	v6 =	vand.u32 $0x1FFF8, v6;
	v38 =	vadd.s32 v0, v13;
	v17 =	vand.u32 $0xFFFF, v34;
	v39 =	vld.idx.msk [tilespmem:v20+s2+$0x0], $0xffff  }
0x20e: {  	v35 =	vand.u32 $0x1FFF8, v35;
	v31 =	vand.u32 $0xFFFF, v28;
	v20 =	vadd.s32 v0, v17;
	v40 =	vld.idx.msk [tilespmem:v14+s2+$0x0], $0xffff  }
0x20f: {  	v7 =	vand.u32 $0x1FFF8, v7;
	v38 =	vand.u32 $0x1FFF8, v38;
	v14 =	vadd.s32 v0, v31;
	v41 =	vld.idx.msk [tilespmem:v4+s2+$0x0], $0xffff  }
0x210: {  	v43 =	vand.u32 $0x1FFF8, v20;
	v42 =	vand.u32 $0x1FFF8, v14;
	v14 =	vshra.s32 v21, $0x10;
	v44 =	vld.idx.msk [tilespmem:v19+s2+$0x0], $0xffff;
	[tilespmem:s18+$0xFFFFFF70] =	vst v23  }
0x211: {  	v23 =	vand.u32 $0x7, v28;
	v19 =	vand.u32 $0x7, v29;
	v45 =	vadd.s32 v0, v14;
	v46 =	vld.idx.msk [tilespmem:v18+s2+$0x0], $0xffff;
	[tilespmem:s18+$0xFFFFFF90] =	vst v36  }
0x212: {  	v20 =	vand.u32 $0x7, v30;
	v21 =	vand.u32 $0x7, v32;
	v18 =	vand.u32 $0x7, v33;
	v4 =	vld.idx.msk [tilespmem:v22+s2+$0x0], $0xffff;
	[tilespmem:s18+$0xFFFFFFB0] =	vst v37  }
0x213: {  	v36 =	vor.u32 v23, v42;
	v37 =	vor.u32 v8, v5;
	v22 =	vand.u32 $0x7, v34;
	v5 =	vld.idx.msk [tilespmem:v26+s2+$0x0], $0xffff;
	[tilespmem:s18+$0xFFFFFFD0] =	vst v39  }
0x214: {  	v35 =	vor.u32 v20, v35;
	v42 =	vor.u32 v21, v7;
	v39 =	vor.u32 v19, v6;
	s18 =	sadd.s32 $0x100, s18;
	v6 =	vld.idx.msk [tilespmem:v24+s2+$0x0], $0xffff  }
0x215: {  	v38 =	vor.u32 v18, v38;
	v43 =	vor.u32 v22, v43;
	v24 =	vshra.s32 v28, $0x10;
	[tilespmem:s18+$0xFFFF8970] =	vst v41;
	v7 =	vld.idx.msk [tilespmem:v25+s2+$0x0], $0xffff  }
0x216: {  	v28 =	vshra.s32 v27, $0x10;
	v27 =	vadd.s32 v1, v15;
	v25 =	vshra.s32 v29, $0x10;
	v41 =	vld.idx.msk [tilespmem:v45+s2+$0x0], $0xffff;
	[tilespmem:s16+$0xFFFFFF20] =	vst v40  }
0x217: {  	v26 =	vshra.s32 v32, $0x10;
	v29 =	vshra.s32 v30, $0x10;
	v32 =	vand.u32 $0x1FFF8, v27;
	[tilespmem:s16+$0xFFFFFF40] =	vst v44  }
0x218: {  	v30 =	vshra.s32 v33, $0x10;
	v27 =	vshra.s32 v34, $0x10;
	v32 =	vor.u32 v16, v32;
	v36 =	vld.idx.msk [tilespmem:v36+s2+$0x0], $0xffff;
	[tilespmem:s16+$0xFFFFFF60] =	vst v46  }
0x219: {  	v33 =	vadd.s32 v0, v24;
	v40 =	vadd.s32 v0, v25;
	v34 =	vld.idx.msk [tilespmem:v37+s2+$0x0], $0xffff;
	v37 =	vadd.s32 v0, v28  }
0x21a: {  	v45 =	vadd.s32 v0, v26;
	v44 =	vadd.s32 v0, v29;
	v46 =	vadd.s32 v0, v30;
	v39 =	vld.idx.msk [tilespmem:v39+s2+$0x0], $0xffff  }
0x21b: {  	v48 =	vadd.s32 v1, v9;
	v47 =	vadd.s32 v1, v31;
	v49 =	vadd.s32 v0, v27;
	v35 =	vld.idx.msk [tilespmem:v35+s2+$0x0], $0xffff  }
0x21c: {  	v50 =	vadd.s32 v1, v10;
	v51 =	vadd.s32 v1, v11;
	v47 =	vand.u32 $0x1FFF8, v47;
	v42 =	vld.idx.msk [tilespmem:v42+s2+$0x0], $0xffff;
	[tilespmem:s18+$0xFFFF8980] =	vst v41  }
0x21d: {  	v52 =	vadd.s32 v1, v13;
	v53 =	vadd.s32 v1, v17;
	v41 =	vadd.s32 v1, v12;
	v32 =	vld.idx.msk [tilespmem:v32+s2+$0x0], $0xffff  }
0x21e: {  	[tilespmem:s18+$0xFFFF8890] =	vst v36;
	v36 =	vand.u32 $0x1FFF8, v48;
	v48 =	vand.u32 $0x1FFF8, v50;
	v50 =	vand.u32 $0x1FFF8, v51;
	v38 =	vld.idx.msk [tilespmem:v38+s2+$0x0], $0xffff  }
0x21f: {  	v51 =	vadd.s32 v1, v14;
	[tilespmem:s18+$0xFFFF88B0] =	vst v34;
	v34 =	vand.u32 $0x1FFF8, v41;
	v41 =	vand.u32 $0x1FFF8, v52;
	v43 =	vld.idx.msk [tilespmem:v43+s2+$0x0], $0xffff  }
0x220: {  	v47 =	vor.u32 v23, v47;
	v36 =	vor.u32 v8, v36;
	v33 =	vld.idx.msk [tilespmem:v33+s2+$0x0], $0xffff;
	[tilespmem:s18+$0xFFFF88D0] =	vst v39;
	v39 =	vand.u32 $0x1FFF8, v53  }
0x221: {  	v48 =	vor.u32 v19, v48;
	v37 =	vld.idx.msk [tilespmem:v37+s2+$0x0], $0xffff;
	[tilespmem:s18+$0xFFFF88F0] =	vst v35;
	v35 =	vor.u32 v20, v50  }
0x222: {  	v34 =	vor.u32 v21, v34;
	v41 =	vor.u32 v18, v41;
	v40 =	vld.idx.msk [tilespmem:v40+s2+$0x0], $0xffff;
	[tilespmem:s18+$0xFFFF8910] =	vst v42  }
0x223: {  	v39 =	vor.u32 v22, v39;
	v42 =	vadd.s32 v1, v24;
	v44 =	vld.idx.msk [tilespmem:v44+s2+$0x0], $0xffff;
	[tilespmem:s18+$0xFFFFB0F0] =	vst v32  }
0x224: {  	v50 =	vadd.s32 v2, v15;
	v32 =	vadd.s32 v1, v28;
	[tilespmem:s18+$0xFFFF8930] =	vst v38;
	v38 =	vld.idx.msk [tilespmem:v51+s2+$0x0], $0xffff  }
0x225: {  	v52 =	vadd.s32 v1, v29;
	v51 =	vadd.s32 v1, v25;
	v45 =	vld.idx.msk [tilespmem:v45+s2+$0x0], $0xffff;
	[tilespmem:s18+$0xFFFF8950] =	vst v43;
	v43 =	vand.u32 $0x1FFF8, v50  }
0x226: {  	[tilespmem:s18+$0xFFFF88A0] =	vst v33;
	v33 =	vadd.s32 v1, v26;
	v46 =	vld.idx.msk [tilespmem:v46+s2+$0x0], $0xffff;
	v43 =	vor.u32 v16, v43  }
0x227: {  	v50 =	vadd.s32 v1, v27;
	[tilespmem:s18+$0xFFFF88C0] =	vst v37;
	v37 =	vadd.s32 v1, v30;
	v49 =	vld.idx.msk [tilespmem:v49+s2+$0x0], $0xffff  }
0x228: {  	v54 =	vadd.s32 v2, v9;
	v53 =	vadd.s32 v2, v31;
	v47 =	vld.idx.msk [tilespmem:v47+s2+$0x0], $0xffff;
	[tilespmem:s18+$0xFFFF88E0] =	vst v40  }
0x229: {  	v40 =	vand.u32 $0x1FFF8, v53;
	v53 =	vadd.s32 v2, v10;
	v36 =	vld.idx.msk [tilespmem:v36+s2+$0x0], $0xffff;
	[tilespmem:s18+$0xFFFF8900] =	vst v44;
	v44 =	vadd.s32 v2, v11  }
0x22a: {  	v54 =	vand.u32 $0x1FFF8, v54;
	v55 =	vadd.s32 v2, v12;
	v56 =	vadd.s32 v2, v13;
	v48 =	vld.idx.msk [tilespmem:v48+s2+$0x0], $0xffff;
	[tilespmem:s18+$0xFFFFB100] =	vst v38  }
0x22b: {  	v38 =	vand.u32 $0x1FFF8, v53;
	v44 =	vand.u32 $0x1FFF8, v44;
	[tilespmem:s18+$0xFFFF8920] =	vst v45;
	v45 =	vadd.s32 v2, v17;
	v43 =	vld.idx.msk [tilespmem:v43+s2+$0x0], $0xffff  }
0x22c: {  	v53 =	vand.u32 $0x1FFF8, v55;
	v35 =	vld.idx.msk [tilespmem:v35+s2+$0x0], $0xffff;
	[tilespmem:s18+$0xFFFF8940] =	vst v46;
	v46 =	vand.u32 $0x1FFF8, v56;
	v45 =	vand.u32 $0x1FFF8, v45  }
0x22d: {  	v40 =	vor.u32 v23, v40;
	v34 =	vld.idx.msk [tilespmem:v34+s2+$0x0], $0xffff;
	[tilespmem:s18+$0xFFFF8960] =	vst v49;
	v49 =	vadd.s32 v2, v14  }
0x22e: {  	v38 =	vor.u32 v19, v38;
	[tilespmem:s18+$0xFFFFB010] =	vst v47;
	v47 =	vor.u32 v8, v54;
	v41 =	vld.idx.msk [tilespmem:v41+s2+$0x0], $0xffff  }
0x22f: {  	[tilespmem:s18+$0xFFFFB030] =	vst v36;
	v36 =	vor.u32 v20, v44;
	v44 =	vor.u32 v21, v53;
	v39 =	vld.idx.msk [tilespmem:v39+s2+$0x0], $0xffff  }
0x230: {  	v46 =	vor.u32 v18, v46;
	v45 =	vor.u32 v22, v45;
	v42 =	vld.idx.msk [tilespmem:v42+s2+$0x0], $0xffff;
	[tilespmem:s18+$0xFFFFB050] =	vst v48  }
0x231: {  	v53 =	vadd.s32 v2, v28;
	v48 =	vadd.s32 v2, v24;
	v32 =	vld.idx.msk [tilespmem:v32+s2+$0x0], $0xffff;
	[tilespmem:s18+$0xFFFFD870] =	vst v43  }
0x232: {  	v15 =	vadd.s32 v3, v15;
	v43 =	vadd.s32 v2, v25;
	[tilespmem:s18+$0xFFFFB070] =	vst v35;
	v35 =	vld.idx.msk [tilespmem:v49+s2+$0x0], $0xffff  }
0x233: {  	v15 =	vand.u32 $0x1FFF8, v15;
	v49 =	vld.idx.msk [tilespmem:v51+s2+$0x0], $0xffff;
	v51 =	vadd.s32 v2, v29;
	[tilespmem:s18+$0xFFFFB090] =	vst v34;
	v34 =	vadd.s32 v2, v26  }
0x234: {  	v15 =	vor.u32 v16, v15;
	v52 =	vld.idx.msk [tilespmem:v52+s2+$0x0], $0xffff;
	[tilespmem:s18+$0xFFFFB0B0] =	vst v41;
	v41 =	vadd.s32 v2, v30  }
0x235: {  	v16 =	vadd.s32 v3, v31;
	v31 =	vld.idx.msk [tilespmem:v33+s2+$0x0], $0xffff;
	[tilespmem:s18+$0xFFFFB0D0] =	vst v39;
	v33 =	vadd.s32 v2, v27  }
0x236: {  	v9 =	vadd.s32 v3, v9;
	v16 =	vand.u32 $0x1FFF8, v16;
	v10 =	vadd.s32 v3, v10;
	[tilespmem:s18+$0xFFFFB020] =	vst v42;
	v37 =	vld.idx.msk [tilespmem:v37+s2+$0x0], $0xffff  }
0x237: {  	v9 =	vand.u32 $0x1FFF8, v9;
	v12 =	vadd.s32 v3, v12;
	v11 =	vadd.s32 v3, v11;
	[tilespmem:s18+$0xFFFFB040] =	vst v32;
	v32 =	vld.idx.msk [tilespmem:v50+s2+$0x0], $0xffff  }
0x238: {  	v13 =	vadd.s32 v3, v13;
	v10 =	vand.u32 $0x1FFF8, v10;
	v17 =	vadd.s32 v3, v17;
	v39 =	vld.idx.msk [tilespmem:v40+s2+$0x0], $0xffff;
	[tilespmem:s18+$0xFFFFD880] =	vst v35  }
0x239: {  	v11 =	vand.u32 $0x1FFF8, v11;
	v35 =	vand.u32 $0x1FFF8, v12;
	v40 =	vand.u32 $0x1FFF8, v13;
	[tilespmem:s18+$0xFFFFB060] =	vst v49;
	v15 =	vld.idx.msk [tilespmem:v15+s2+$0x0], $0xffff  }
0x23a: {  	v16 =	vor.u32 v23, v16;
	v42 =	vor.u32 v8, v9;
	v8 =	vand.u32 $0x1FFF8, v17;
	v23 =	vld.idx.msk [tilespmem:v47+s2+$0x0], $0xffff;
	[tilespmem:s18+$0xFFFFB080] =	vst v52  }
0x23b: {  	v9 =	vld.idx.msk [tilespmem:v38+s2+$0x0], $0xffff;
	v38 =	vor.u32 v19, v10;
	[tilespmem:s18+$0xFFFFB0A0] =	vst v31;
	v10 =	vadd.s32 v3, v14  }
0x23c: {  	v12 =	vor.u32 v20, v11;
	v13 =	vor.u32 v21, v35;
	v31 =	vld.idx.msk [tilespmem:v36+s2+$0x0], $0xffff;
	[tilespmem:s18+$0xFFFFB0C0] =	vst v37  }
0x23d: {  	v20 =	vor.u32 v22, v8;
	v17 =	vor.u32 v18, v40;
	v11 =	vld.idx.msk [tilespmem:v44+s2+$0x0], $0xffff;
	[tilespmem:s18+$0xFFFFB0E0] =	vst v32  }
0x23e: {  	v14 =	vadd.s32 v3, v24;
	v19 =	vadd.s32 v3, v28;
	[tilespmem:s18+$0xFFFFD790] =	vst v39;
	v8 =	vld.idx.msk [tilespmem:v46+s2+$0x0], $0xffff  }
0x23f: {  	v22 =	vadd.s32 v3, v29;
	v18 =	vadd.s32 v3, v25;
	v21 =	vld.idx.msk [tilespmem:v45+s2+$0x0], $0xffff;
	[tilespmem:s18+$0xFFFFFFF0] =	vst v15  }
0x240: {  	v26 =	vadd.s32 v3, v26;
	v24 =	vadd.s32 v3, v30;
	[tilespmem:s18+$0xFFFFD7B0] =	vst v23;
	v10 =	vld.idx.msk [tilespmem:v10+s2+$0x0], $0xffff  }
0x241: {  	v25 =	vadd.s32 v3, v27;
	v15 =	vld.idx.msk [tilespmem:v48+s2+$0x0], $0xffff;
	[tilespmem:s18+$0xFFFFD7D0] =	vst v9  }
0x242: {  	v23 =	vld.idx.msk [tilespmem:v53+s2+$0x0], $0xffff;
	[tilespmem:s18+$0xFFFFD7F0] =	vst v31  }
0x243: {  	v27 =	vld.idx.msk [tilespmem:v43+s2+$0x0], $0xffff;
	[tilespmem:s18+$0xFFFFD810] =	vst v11  }
0x244: {  	v28 =	vld.idx.msk [tilespmem:v51+s2+$0x0], $0xffff;
	[tilespmem:s18+$0xFFFFD830] =	vst v8  }
0x245: {  	v8 =	vld.idx.msk [tilespmem:v34+s2+$0x0], $0xffff;
	[tilespmem:s18+$0xFFFFD850] =	vst v21  }
.Ltmp4:
0x246: {  	v9 =	vld.idx.msk [tilespmem:v41+s2+$0x0], $0xffff;
	[tilespmem:s18+$0x0] =	vst v10;
	(pc) =	sbr.rel @p0 .LBB2_11-.Ltmp4, $4  }
0x247: {  	[tilespmem:s18+$0xFFFFD7A0] =	vst v15;
	v10 =	vld.idx.msk [tilespmem:v33+s2+$0x0], $0xffff  }
0x248: {  	v11 =	vld.idx.msk [tilespmem:v16+s2+$0x0], $0xffff;
	[tilespmem:s18+$0xFFFFD7C0] =	vst v23  }
0x249: {  	v15 =	vld.idx.msk [tilespmem:v42+s2+$0x0], $0xffff;
	[tilespmem:s18+$0xFFFFD7E0] =	vst v27  }
0x24a: {  	s20 =	sadd.s32 $0x80, s20;
	v16 =	vld.idx.msk [tilespmem:v38+s2+$0x0], $0xffff;
	[tilespmem:s18+$0xFFFFD800] =	vst v28  }
0x24b: {  	[tilespmem:s18+$0xFFFFD820] =	vst v8  }
0x24c: {  	[tilespmem:s18+$0xFFFFD840] =	vst v9  }
0x24d: {  	[tilespmem:s16+$0xFFFFFF80] =	vst v4  }
0x24e: {  	[tilespmem:s16+$0xFFFFFFA0] =	vst v5  }
0x24f: {  	[tilespmem:s16+$0xFFFFFFC0] =	vst v6  }
0x250: {  	v51 =	vld.idx.msk [tilespmem:v12+s2+$0x0], $0xffff;
	[tilespmem:s16+$0xFFFFFFE0] =	vst v7  }
0x251: {  	[tilespmem:s18+$0xFFFFD860] =	vst v10;
	v52 =	vld.idx.msk [tilespmem:v13+s2+$0x0], $0xffff  }
0x252: {  	v53 =	vld.idx.msk [tilespmem:v17+s2+$0x0], $0xffff;
	[tilespmem:s18+$0xFFFFFF10] =	vst v11  }
0x253: {  	v54 =	vld.idx.msk [tilespmem:v20+s2+$0x0], $0xffff;
	[tilespmem:s18+$0xFFFFFF30] =	vst v15  }
0x254: {  	v55 =	vld.idx.msk [tilespmem:v14+s2+$0x0], $0xffff;
	[tilespmem:s18+$0xFFFFFF50] =	vst v16  }
0x255: {  	v56 =	vld.idx.msk [tilespmem:v19+s2+$0x0], $0xffff;
	[tilespmem:s18+$0xFFFFFF70] =	vst v51  }
0x256: {  	v57 =	vld.idx.msk [tilespmem:v18+s2+$0x0], $0xffff;
	[tilespmem:s18+$0xFFFFFF90] =	vst v52  }
0x257: {  	v58 =	vld.idx.msk [tilespmem:v22+s2+$0x0], $0xffff;
	[tilespmem:s18+$0xFFFFFFB0] =	vst v53  }
0x258: {  	v59 =	vld.idx.msk [tilespmem:v26+s2+$0x0], $0xffff;
	[tilespmem:s18+$0xFFFFFFD0] =	vst v54  }
0x259: {  	v60 =	vld.idx.msk [tilespmem:v24+s2+$0x0], $0xffff;
	[tilespmem:s18+$0xFFFFFF20] =	vst v55  }
0x25a: {  	v61 =	vld.idx.msk [tilespmem:v25+s2+$0x0], $0xffff;
	[tilespmem:s18+$0xFFFFFF40] =	vst v56  }
0x25b: {  	[tilespmem:s18+$0xFFFFFF60] =	vst v57  }
0x25c: {  	[tilespmem:s18+$0xFFFFFF80] =	vst v58  }
0x25d: {  	[tilespmem:s18+$0xFFFFFFA0] =	vst v59  }
0x25e: {  	[tilespmem:s18+$0xFFFFFFC0] =	vst v60  }
0x25f: {  	[tilespmem:s18+$0xFFFFFFE0] =	vst v61  }
0x260: {  	v4 =	vld [tilespmem:$0x8290];
	_ =	sdelay $0x4  }
0x261: {  	v0 =	vadd.s32 v0, v4;
	_ =	sdelay $0x4  }
0x262: {  	v0 =	vld.idx.msk [tilespmem:v0+s2+$0x0], $0xffff  }
0x263: {  	v1 =	vadd.s32 v1, v4;
	_ =	sdelay $0x3  }
0x264: {  	[tilespmem:$0x15B20] =	vst v0  }
0x265: {  	v0 =	vld.idx.msk [tilespmem:v1+s2+$0x0], $0xffff  }
0x266: {  	v62 =	vadd.s32 v2, v4;
	_ =	sdelay $0x3  }
0x267: {  	[tilespmem:$0x182A0] =	vst v0  }
0x268: {  	v0 =	vld.idx.msk [tilespmem:v62+s2+$0x0], $0xffff  }
0x269: {  	v63 =	vadd.s32 v3, v4;
	_ =	sdelay $0x3  }
0x26a: {  	[tilespmem:$0x1AA20] =	vst v0  }
0x26b: {  	s15 =	sadd.s32 $0x1, s15;
	v0 =	vld.idx.msk [tilespmem:v63+s2+$0x0], $0xffff  }
0x26c: {  	p0 =	sne.s32 s15, $0x10  }
.Ltmp5:
0x26d: {  	_ = 	snop;
	(pc) =	sbr.rel @p0 .LBB2_2-.Ltmp5, $3  }
0x26e: {  	s31 =	smul.u32 $0x4F0, s17;
	_ =	sdelay $0x1  }
0x26f: {  	s16 =	sadd.s32 s1, s31;
	[tilespmem:$0x1D1A0] =	vst v0  }
0x270: {  	[hbm4b:s16+s2] =	stream.linear.scatter [tilespmem:s11], [sflag:$0x2], $0x9E00, $0x38;
	[tilespmem:$0x1D220] =	vst v63  }
0x271: {  	s14 =	sadd.s32 $0x1, s14  }
0x272: {  	_ =	swait.ge [sflag:s12], $0x9E00;
	p0 =	sne.s32 s14, s7  }
.Ltmp6:
0x273: {  	[sflag:s12] =	ssyncset.done $0x0;
	(pc) =	sbr.rel @p0 .LBB2_1-.Ltmp6, $4  }
0x274: {  	[sflag:s12] =	ssyncadd.s32 $0xFFFF6200  }
0x275: {  	_ =	swait.ge [sflag:s13], $0x9E00  }
0x276: {  	[sflag:s13] =	ssyncset.done $0x0  }
0x277: {  	[sflag:s13] =	ssyncadd.s32 $0xFFFF6200  }
0x278: {  	_ =	sfence.sel $0x180000  }
0x279: {  	[bflag:$0x0] =	sbarrier.arrive $0xFFFF  }
0x27a: {  	p0 =	sne.s32 s3, $0x0;
	_ =	strace $0x90000047  }
0x27b: {  	s0 =	sadd.s32 @!p0 $0x100000, s0;
	[bflag:$0x2] =	sbarrier.arrive $0xFFFF  }
0x27c: {  	[sflag:s0] =	ssyncadd.tile.s32 @!p0 $0x1;
	_ =	shalt  }
.Lfunc_end2:
_tile_overlayer_lowered:
.L_overlay_start_2:
0x27d: {  	(tag) =	ssettag $0x2  }
0x27e: {  	s0 =	rddreg [dreg:$0x0];
	s2 =	stileid.u32  }
0x27f: {  	s1 =	rddreg [dreg:$0x1];
	p0 =	sne.s32 s2, $0x0  }
0x280: {  	s3 =	rddreg [dreg:$0x2];
	[bflag:$0x3] =	sbarrier.arrive $0xFFFF;
	s2 =	simm.s32 @!p0 $0x1C03  }
0x281: {  	[timem:s3], [sflag:s2] =	dma.local @!p0 [hbm:s0], s1  }
0x282: {  	s0 =	simm.s32 @!p0 $0x3  }
0x283: {  	_ =	swait.ge @!p0 [sflag:s0], s1  }
0x284: {  	s1 =	ssub.s32 @!p0 $0x0, s1;
	[sflag:s0] =	ssyncset.done @!p0 $0x0  }
0x285: {  	[sflag:s0] =	ssyncadd.s32 @!p0 s1  }
0x286: {  	[bflag:$0x3] =	sbarrier.arrive $0xFFFF  }
0x287: {  	_ =	shalt  }

</sc_bundles>
